<compile_context>
chip_gen: v7x
topology: tpu7x:2x2x1
jax: 0.10.2.dev20260603
libtpu: 0.0.44.dev20260713+nightly
codegen_flags: <defaults>
</compile_context>

<pallas_src>
import functools

import jax
import jax.numpy as jnp
from jax import lax
from jax.experimental import pallas as pl
from jax.experimental.pallas import tpu as pltpu, tpu_sc as plsc

_VOCAB = 50432
_D = 6144
_BATCH = 4
_SEQ = 2048
_B = _BATCH * _SEQ

_NC = 2
_NS = 16
_NW = _NC * _NS
_BPW = _B // _NW
_WPR = _SEQ // _BPW
_CH = 8
_NCHUNK = _BPW // _CH
_NBUF = 2

_mesh = plsc.VectorSubcoreMesh(core_axis_name="c", subcore_axis_name="s")


@functools.partial(
    pl.kernel,
    out_type=jax.ShapeDtypeStruct((_B, _D), jnp.float32),
    mesh=_mesh,
    scratch_types=[
        pltpu.VMEM((_BPW,), jnp.int32),
        pltpu.VMEM((_NBUF, _CH, _D), jnp.float32),
        [pltpu.SemaphoreType.DMA] * _NBUF,
        [pltpu.SemaphoreType.DMA] * _NBUF,
    ],
)
def _lookup(w_hbm, x_hbm, out_hbm, idx_v, buf_v, gs, ps):
    wid = lax.axis_index("s") * _NC + lax.axis_index("c")
    base = wid * _BPW
    pltpu.sync_copy(
        x_hbm.at[wid // _WPR, pl.ds((wid % _WPR) * _BPW, _BPW)], idx_v
    )

    def wait_gather(b):
        pltpu.make_async_copy(w_hbm.at[pl.ds(0, _CH)], buf_v.at[b], gs[b]).wait()

    def start_write(b, c):
        off = pl.multiple_of(base + c * _CH, _CH)
        pltpu.async_copy(buf_v.at[b], out_hbm.at[pl.ds(off, _CH)], ps[b])

    def wait_write(b):
        pltpu.make_async_copy(
            buf_v.at[b], out_hbm.at[pl.ds(base, _CH)], ps[b]
        ).wait()

    def start_gather(b, c):
        off = pl.multiple_of(c * _CH, _CH)
        pltpu.async_copy(w_hbm.at[idx_v.at[pl.ds(off, _CH)]], buf_v.at[b], gs[b])

    for b in range(_NBUF):
        start_gather(b, b)

    def body(g, carry):
        for b in range(_NBUF):
            c = g * _NBUF + b
            wait_gather(b)
            start_write(b, c)
            wait_write(b)
            start_gather(b, c + _NBUF)
        return carry

    lax.fori_loop(0, _NCHUNK // _NBUF - 1, body, 0)

    for b in range(_NBUF):
        wait_gather(b)
        start_write(b, _NCHUNK - _NBUF + b)
    for b in range(_NBUF):
        wait_write(b)


def kernel(x, W):
    flat = _lookup(W, x)
    return flat.reshape(x.shape + (W.shape[1],))

# --- scband reference (transcript-rebuilt; emitter-appended) ---
"""Pipeline reference for scband-embedding-68229850464550 (READ-ONLY COPY).

The authoritative reference and input builder live on the scoring server;
editing this copy changes nothing except your own understanding.
"""

import jax, jax.numpy as jnp
import numpy as np

N_VOCAB = 50432
N_HIDDEN = 6144

def setup_inputs(seed: int = 0) -> dict:
    key = jax.random.key(seed)
    k_idx, k_w = jax.random.split(key)
    x = jax.random.randint(k_idx, (4, 2048), 0, N_VOCAB, dtype=jnp.int64 if jax.config.jax_enable_x64 else jnp.int32)
    # embedding table, initialized like nn.Embedding (N(0,1))
    W = jax.random.normal(k_w, (N_VOCAB, N_HIDDEN), dtype=jnp.float32)
    return {"x": x, "W": W}

def reference(x, W):
    # Standard embedding lookup: out[b, s, :] = W[x[b, s], :]
    return jnp.take(W, x, axis=0)

if __name__ == "__main__":
    import jax
    _d = setup_inputs()
    print(jax.jit(kernel)(*tuple(_d.values())))

</pallas_src>

<mosaic_0001>
#map = affine_map<(d0, d1) -> (0, 0)>
module attributes {stable_mosaic.version = 14 : i64} {
  func.func @_lookup(%arg0: i32, %arg1: i32, %arg2: memref<50432x6144xf32, #tpu.memory_space<hbm>>, %arg3: memref<4x2048xi32, #tpu.memory_space<hbm>>, %arg4: memref<8192x6144xf32, #tpu.memory_space<hbm>>, %arg5: memref<256xi32, #tpu.memory_space<vmem>>, %arg6: memref<2x8x6144xf32, #tpu.memory_space<vmem>>, %arg7: memref<!tpu.dma_semaphore, #tpu.memory_space<semaphore_mem>>, %arg8: memref<!tpu.dma_semaphore, #tpu.memory_space<semaphore_mem>>, %arg9: memref<!tpu.dma_semaphore, #tpu.memory_space<semaphore_mem>>, %arg10: memref<!tpu.dma_semaphore, #tpu.memory_space<semaphore_mem>>) attributes {dimension_semantics = [#tpu.dimension_semantics<core_parallel>, #tpu.dimension_semantics<subcore_parallel>], iteration_bounds = array<i64: 2, 16>, scalar_prefetch = 0 : i64, scratch_operands = 6 : i64, tpu.core_type = #tpu.core_type<sc_vector_subcore>, window_params = [{transform_indices = #map}, {transform_indices = #map}, {transform_indices = #map}]} {
    %mul3A = arith.constant 2 : i32
    %mul3A_0 = arith.muli %arg1, %mul3A : i32
    %add3A = arith.addi %mul3A_0, %arg0 : i32
    %mul3A_1 = arith.constant 256 : i32
    %mul3A_2 = arith.muli %add3A, %mul3A_1 : i32
    %jit3A = arith.constant 8 : i32
    %div3A = arith.divsi %add3A, %jit3A : i32
    %sign3A = arith.constant 0 : i32
    %sign3A_3 = arith.cmpi sgt, %add3A, %sign3A : i32
    %sign3A_4 = arith.extui %sign3A_3 : i1 to i32
    %sign3A_5 = arith.constant 0 : i32
    %sign3A_6 = arith.cmpi slt, %add3A, %sign3A_5 : i32
    %sign3A_7 = arith.extui %sign3A_6 : i1 to i32
    %sign3A_8 = arith.subi %sign3A_4, %sign3A_7 : i32
    %sign3A_9 = arith.constant 0 : i32
    %sign3A_10 = arith.cmpi sgt, %jit3A, %sign3A_9 : i32
    %sign3A_11 = arith.extui %sign3A_10 : i1 to i32
    %sign3A_12 = arith.constant 0 : i32
    %sign3A_13 = arith.cmpi slt, %jit3A, %sign3A_12 : i32
    %sign3A_14 = arith.extui %sign3A_13 : i1 to i32
    %sign3A_15 = arith.subi %sign3A_11, %sign3A_14 : i32
    %ne3A = arith.cmpi ne, %sign3A_8, %sign3A_15 : i32
    %rem3A = arith.remsi %add3A, %jit3A : i32
    %ne3A_16 = arith.constant 0 : i32
    %ne3A_17 = arith.cmpi ne, %rem3A, %ne3A_16 : i32
    %and3A = arith.andi %ne3A, %ne3A_17 : i1
    %sub3A = arith.constant 1 : i32
    %sub3A_18 = arith.subi %div3A, %sub3A : i32
    %select_n3A = arith.select %and3A, %sub3A_18, %div3A : i32
    %jit3A_19 = arith.constant 8 : i32
    %eq3A = arith.constant 0 : i32
    %eq3A_20 = arith.cmpi eq, %jit3A_19, %eq3A : i32
    %jit3A_21 = arith.constant 1 : i32
    %select_n3A_22 = arith.select %eq3A_20, %jit3A_21, %jit3A_19 : i32
    %rem3A_23 = arith.remsi %add3A, %select_n3A_22 : i32
    %ne3A_24 = arith.constant 0 : i32
    %ne3A_25 = arith.cmpi ne, %rem3A_23, %ne3A_24 : i32
    %lt3A = arith.constant 0 : i32
    %lt3A_26 = arith.cmpi slt, %rem3A_23, %lt3A : i32
    %lt3A_27 = arith.constant 0 : i32
    %lt3A_28 = arith.cmpi slt, %select_n3A_22, %lt3A_27 : i32
    %ne3A_29 = arith.xori %lt3A_26, %lt3A_28 : i1
    %and3A_30 = arith.andi %ne3A_29, %ne3A_25 : i1
    %add3A_31 = arith.addi %rem3A_23, %select_n3A_22 : i32
    %select_n3A_32 = arith.select %and3A_30, %add3A_31, %rem3A_23 : i32
    %mul3A_33 = arith.constant 256 : i32
    %mul3A_34 = arith.muli %select_n3A_32, %mul3A_33 : i32
    "tpu.region"() ({
      %run_scoped3A = tpu.sem_alloc : memref<!tpu.dma_semaphore, #tpu.memory_space<semaphore_mem>>
      %dma_start3A_147 = tpu.memref_slice %arg3[%select_n3A, %mul3A_34] : memref<4x2048xi32, #tpu.memory_space<hbm>> -> memref<1x256xi32, #tpu.memory_space<hbm>>
      %dma_start3A_148 = tpu.memref_squeeze %dma_start3A_147 : memref<1x256xi32, #tpu.memory_space<hbm>> -> memref<256xi32, #tpu.memory_space<hbm>>
      %dma_start3A_149 = tpu.memref_slice %arg3[%select_n3A, %mul3A_34] : memref<4x2048xi32, #tpu.memory_space<hbm>> -> memref<1x256xi32, #tpu.memory_space<hbm>>
      %dma_start3A_150 = tpu.memref_squeeze %dma_start3A_149 : memref<1x256xi32, #tpu.memory_space<hbm>> -> memref<256xi32, #tpu.memory_space<hbm>>
      tpu.enqueue_dma source(%dma_start3A_150 : memref<256xi32, #tpu.memory_space<hbm>>) target(%arg5 : memref<256xi32, #tpu.memory_space<vmem>>) target_semaphore(%run_scoped3A : memref<!tpu.dma_semaphore, #tpu.memory_space<semaphore_mem>>)
      %dma_wait3A_151 = tpu.memref_slice %arg3[%select_n3A, %mul3A_34] : memref<4x2048xi32, #tpu.memory_space<hbm>> -> memref<1x256xi32, #tpu.memory_space<hbm>>
      %dma_wait3A_152 = tpu.memref_squeeze %dma_wait3A_151 : memref<1x256xi32, #tpu.memory_space<hbm>> -> memref<256xi32, #tpu.memory_space<hbm>>
      %dma_wait3A_153 = tpu.memref_slice %arg3[%select_n3A, %mul3A_34] : memref<4x2048xi32, #tpu.memory_space<hbm>> -> memref<1x256xi32, #tpu.memory_space<hbm>>
      %dma_wait3A_154 = tpu.memref_squeeze %dma_wait3A_153 : memref<1x256xi32, #tpu.memory_space<hbm>> -> memref<256xi32, #tpu.memory_space<hbm>>
      tpu.wait_dma2 semaphore(%run_scoped3A : memref<!tpu.dma_semaphore, #tpu.memory_space<semaphore_mem>>) src(%dma_wait3A_154 : memref<256xi32, #tpu.memory_space<hbm>>) dst(%arg5 : memref<256xi32, #tpu.memory_space<vmem>>)
      tpu.yield
    }) : () -> ()
    %multiple_of3A = arith.constant 0 : i32
    %multiple_of3A_35 = tpu.assume_multiple %multiple_of3A, 8 : i32
    %dma_start3A = arith.constant 0 : i32
    %dma_start3A_36 = arith.constant 0 : i32
    %dma_start3A_37 = arith.constant 0 : i32
    %dma_start3A_38 = tpu.memref_slice %arg6[%dma_start3A, %dma_start3A_36, %dma_start3A_37] : memref<2x8x6144xf32, #tpu.memory_space<vmem>> -> memref<1x8x6144xf32, #tpu.memory_space<vmem>>
    %dma_start3A_39 = tpu.memref_squeeze %dma_start3A_38 : memref<1x8x6144xf32, #tpu.memory_space<vmem>> -> memref<8x6144xf32, #tpu.memory_space<vmem>>
    %dma_start3A_40 = tpu.memref_slice %arg5[%multiple_of3A_35] : memref<256xi32, #tpu.memory_space<vmem>> -> memref<8xi32, #tpu.memory_space<vmem>>
    %dma_start3A_41 = arith.constant 0 : i32
    %dma_start3A_42 = arith.constant 0 : i32
    %dma_start3A_43 = tpu.memref_slice %arg2[%dma_start3A_41, %dma_start3A_42] : memref<50432x6144xf32, #tpu.memory_space<hbm>> -> memref<50432x6144xf32, #tpu.memory_space<hbm>>
    tpu.enqueue_indirect_dma source(%dma_start3A_43 : memref<50432x6144xf32, #tpu.memory_space<hbm>>) target(%dma_start3A_39 : memref<8x6144xf32, #tpu.memory_space<vmem>>) offsets(%dma_start3A_40 : memref<8xi32, #tpu.memory_space<vmem>>) semaphore(%arg7 : memref<!tpu.dma_semaphore, #tpu.memory_space<semaphore_mem>>)
    %multiple_of3A_44 = arith.constant 8 : i32
    %multiple_of3A_45 = tpu.assume_multiple %multiple_of3A_44, 8 : i32
    %dma_start3A_46 = arith.constant 1 : i32
    %dma_start3A_47 = arith.constant 0 : i32
    %dma_start3A_48 = arith.constant 0 : i32
    %dma_start3A_49 = tpu.memref_slice %arg6[%dma_start3A_46, %dma_start3A_47, %dma_start3A_48] : memref<2x8x6144xf32, #tpu.memory_space<vmem>> -> memref<1x8x6144xf32, #tpu.memory_space<vmem>>
    %dma_start3A_50 = tpu.memref_squeeze %dma_start3A_49 : memref<1x8x6144xf32, #tpu.memory_space<vmem>> -> memref<8x6144xf32, #tpu.memory_space<vmem>>
    %dma_start3A_51 = tpu.memref_slice %arg5[%multiple_of3A_45] : memref<256xi32, #tpu.memory_space<vmem>> -> memref<8xi32, #tpu.memory_space<vmem>>
    %dma_start3A_52 = arith.constant 0 : i32
    %dma_start3A_53 = arith.constant 0 : i32
    %dma_start3A_54 = tpu.memref_slice %arg2[%dma_start3A_52, %dma_start3A_53] : memref<50432x6144xf32, #tpu.memory_space<hbm>> -> memref<50432x6144xf32, #tpu.memory_space<hbm>>
    tpu.enqueue_indirect_dma source(%dma_start3A_54 : memref<50432x6144xf32, #tpu.memory_space<hbm>>) target(%dma_start3A_50 : memref<8x6144xf32, #tpu.memory_space<vmem>>) offsets(%dma_start3A_51 : memref<8xi32, #tpu.memory_space<vmem>>) semaphore(%arg8 : memref<!tpu.dma_semaphore, #tpu.memory_space<semaphore_mem>>)
    %scan3A = arith.constant 0 : i32
    %scan3A_55 = arith.constant 0 : i32
    %scan3A_56 = arith.constant 15 : i32
    %scan3A_57 = arith.addi %scan3A_55, %scan3A_56 : i32
    %scan3A_58 = arith.constant 1 : i32
    scf.for %scan3A_147 = %scan3A_55 to %scan3A_57 step %scan3A_58  : i32 {
      %mul3A_148 = arith.constant 2 : i32
      %mul3A_149 = arith.muli %scan3A_147, %mul3A_148 : i32
      %add3A_150 = arith.constant 0 : i32
      %add3A_151 = arith.addi %mul3A_149, %add3A_150 : i32
      %dma_wait3A_152 = arith.constant 0 : i32
      %dma_wait3A_153 = arith.constant 0 : i32
      %dma_wait3A_154 = arith.constant 0 : i32
      %dma_wait3A_155 = tpu.memref_slice %arg6[%dma_wait3A_152, %dma_wait3A_153, %dma_wait3A_154] : memref<2x8x6144xf32, #tpu.memory_space<vmem>> -> memref<1x8x6144xf32, #tpu.memory_space<vmem>>
      %dma_wait3A_156 = tpu.memref_squeeze %dma_wait3A_155 : memref<1x8x6144xf32, #tpu.memory_space<vmem>> -> memref<8x6144xf32, #tpu.memory_space<vmem>>
      %dma_wait3A_157 = arith.constant 0 : i32
      %dma_wait3A_158 = arith.constant 0 : i32
      %dma_wait3A_159 = tpu.memref_slice %arg2[%dma_wait3A_157, %dma_wait3A_158] : memref<50432x6144xf32, #tpu.memory_space<hbm>> -> memref<8x6144xf32, #tpu.memory_space<hbm>>
      %dma_wait3A_160 = arith.constant 0 : i32
      %dma_wait3A_161 = arith.constant 0 : i32
      %dma_wait3A_162 = tpu.memref_slice %arg6[%dma_wait3A_152, %dma_wait3A_160, %dma_wait3A_161] : memref<2x8x6144xf32, #tpu.memory_space<vmem>> -> memref<1x8x6144xf32, #tpu.memory_space<vmem>>
      %dma_wait3A_163 = tpu.memref_squeeze %dma_wait3A_162 : memref<1x8x6144xf32, #tpu.memory_space<vmem>> -> memref<8x6144xf32, #tpu.memory_space<vmem>>
      %dma_wait3A_164 = arith.constant 0 : i32
      %dma_wait3A_165 = arith.constant 0 : i32
      %dma_wait3A_166 = tpu.memref_slice %arg2[%dma_wait3A_164, %dma_wait3A_165] : memref<50432x6144xf32, #tpu.memory_space<hbm>> -> memref<8x6144xf32, #tpu.memory_space<hbm>>
      tpu.wait_dma2 semaphore(%arg7 : memref<!tpu.dma_semaphore, #tpu.memory_space<semaphore_mem>>) src(%dma_wait3A_166 : memref<8x6144xf32, #tpu.memory_space<hbm>>) dst(%dma_wait3A_163 : memref<8x6144xf32, #tpu.memory_space<vmem>>)
      %mul3A_167 = arith.constant 8 : i32
      %mul3A_168 = arith.muli %add3A_151, %mul3A_167 : i32
      %add3A_169 = arith.addi %mul3A_2, %mul3A_168 : i32
      %multiple_of3A_170 = tpu.assume_multiple %add3A_169, 8 : i32
      %dma_start3A_171 = arith.constant 0 : i32
      %dma_start3A_172 = arith.constant 0 : i32
      %dma_start3A_173 = arith.constant 0 : i32
      %dma_start3A_174 = tpu.memref_slice %arg6[%dma_start3A_171, %dma_start3A_172, %dma_start3A_173] : memref<2x8x6144xf32, #tpu.memory_space<vmem>> -> memref<1x8x6144xf32, #tpu.memory_space<vmem>>
      %dma_start3A_175 = tpu.memref_squeeze %dma_start3A_174 : memref<1x8x6144xf32, #tpu.memory_space<vmem>> -> memref<8x6144xf32, #tpu.memory_space<vmem>>
      %dma_start3A_176 = arith.constant 0 : i32
      %dma_start3A_177 = tpu.memref_slice %arg4[%multiple_of3A_170, %dma_start3A_176] : memref<8192x6144xf32, #tpu.memory_space<hbm>> -> memref<8x6144xf32, #tpu.memory_space<hbm>>
      %dma_start3A_178 = arith.constant 0 : i32
      %dma_start3A_179 = tpu.memref_slice %arg4[%multiple_of3A_170, %dma_start3A_178] : memref<8192x6144xf32, #tpu.memory_space<hbm>> -> memref<8x6144xf32, #tpu.memory_space<hbm>>
      %dma_start3A_180 = arith.constant 0 : i32
      %dma_start3A_181 = arith.constant 0 : i32
      %dma_start3A_182 = tpu.memref_slice %arg6[%dma_start3A_171, %dma_start3A_180, %dma_start3A_181] : memref<2x8x6144xf32, #tpu.memory_space<vmem>> -> memref<1x8x6144xf32, #tpu.memory_space<vmem>>
      %dma_start3A_183 = tpu.memref_squeeze %dma_start3A_182 : memref<1x8x6144xf32, #tpu.memory_space<vmem>> -> memref<8x6144xf32, #tpu.memory_space<vmem>>
      tpu.enqueue_dma source(%dma_start3A_183 : memref<8x6144xf32, #tpu.memory_space<vmem>>) target(%dma_start3A_179 : memref<8x6144xf32, #tpu.memory_space<hbm>>) target_semaphore(%arg9 : memref<!tpu.dma_semaphore, #tpu.memory_space<semaphore_mem>>)
      %dma_wait3A_184 = arith.constant 0 : i32
      %dma_wait3A_185 = arith.constant 0 : i32
      %dma_wait3A_186 = arith.constant 0 : i32
      %dma_wait3A_187 = tpu.memref_slice %arg6[%dma_wait3A_184, %dma_wait3A_185, %dma_wait3A_186] : memref<2x8x6144xf32, #tpu.memory_space<vmem>> -> memref<1x8x6144xf32, #tpu.memory_space<vmem>>
      %dma_wait3A_188 = tpu.memref_squeeze %dma_wait3A_187 : memref<1x8x6144xf32, #tpu.memory_space<vmem>> -> memref<8x6144xf32, #tpu.memory_space<vmem>>
      %dma_wait3A_189 = arith.constant 0 : i32
      %dma_wait3A_190 = tpu.memref_slice %arg4[%mul3A_2, %dma_wait3A_189] : memref<8192x6144xf32, #tpu.memory_space<hbm>> -> memref<8x6144xf32, #tpu.memory_space<hbm>>
      %dma_wait3A_191 = arith.constant 0 : i32
      %dma_wait3A_192 = tpu.memref_slice %arg4[%mul3A_2, %dma_wait3A_191] : memref<8192x6144xf32, #tpu.memory_space<hbm>> -> memref<8x6144xf32, #tpu.memory_space<hbm>>
      %dma_wait3A_193 = arith.constant 0 : i32
      %dma_wait3A_194 = arith.constant 0 : i32
      %dma_wait3A_195 = tpu.memref_slice %arg6[%dma_wait3A_184, %dma_wait3A_193, %dma_wait3A_194] : memref<2x8x6144xf32, #tpu.memory_space<vmem>> -> memref<1x8x6144xf32, #tpu.memory_space<vmem>>
      %dma_wait3A_196 = tpu.memref_squeeze %dma_wait3A_195 : memref<1x8x6144xf32, #tpu.memory_space<vmem>> -> memref<8x6144xf32, #tpu.memory_space<vmem>>
      tpu.wait_dma2 semaphore(%arg9 : memref<!tpu.dma_semaphore, #tpu.memory_space<semaphore_mem>>) src(%dma_wait3A_196 : memref<8x6144xf32, #tpu.memory_space<vmem>>) dst(%dma_wait3A_192 : memref<8x6144xf32, #tpu.memory_space<hbm>>)
      %add3A_197 = arith.constant 2 : i32
      %add3A_198 = arith.addi %add3A_151, %add3A_197 : i32
      %mul3A_199 = arith.constant 8 : i32
      %mul3A_200 = arith.muli %add3A_198, %mul3A_199 : i32
      %multiple_of3A_201 = tpu.assume_multiple %mul3A_200, 8 : i32
      %dma_start3A_202 = arith.constant 0 : i32
      %dma_start3A_203 = arith.constant 0 : i32
      %dma_start3A_204 = arith.constant 0 : i32
      %dma_start3A_205 = tpu.memref_slice %arg6[%dma_start3A_202, %dma_start3A_203, %dma_start3A_204] : memref<2x8x6144xf32, #tpu.memory_space<vmem>> -> memref<1x8x6144xf32, #tpu.memory_space<vmem>>
      %dma_start3A_206 = tpu.memref_squeeze %dma_start3A_205 : memref<1x8x6144xf32, #tpu.memory_space<vmem>> -> memref<8x6144xf32, #tpu.memory_space<vmem>>
      %dma_start3A_207 = tpu.memref_slice %arg5[%multiple_of3A_201] : memref<256xi32, #tpu.memory_space<vmem>> -> memref<8xi32, #tpu.memory_space<vmem>>
      %dma_start3A_208 = arith.constant 0 : i32
      %dma_start3A_209 = arith.constant 0 : i32
      %dma_start3A_210 = tpu.memref_slice %arg2[%dma_start3A_208, %dma_start3A_209] : memref<50432x6144xf32, #tpu.memory_space<hbm>> -> memref<50432x6144xf32, #tpu.memory_space<hbm>>
      tpu.enqueue_indirect_dma source(%dma_start3A_210 : memref<50432x6144xf32, #tpu.memory_space<hbm>>) target(%dma_start3A_206 : memref<8x6144xf32, #tpu.memory_space<vmem>>) offsets(%dma_start3A_207 : memref<8xi32, #tpu.memory_space<vmem>>) semaphore(%arg7 : memref<!tpu.dma_semaphore, #tpu.memory_space<semaphore_mem>>)
      %mul3A_211 = arith.constant 2 : i32
      %mul3A_212 = arith.muli %scan3A_147, %mul3A_211 : i32
      %add3A_213 = arith.constant 1 : i32
      %add3A_214 = arith.addi %mul3A_212, %add3A_213 : i32
      %dma_wait3A_215 = arith.constant 1 : i32
      %dma_wait3A_216 = arith.constant 0 : i32
      %dma_wait3A_217 = arith.constant 0 : i32
      %dma_wait3A_218 = tpu.memref_slice %arg6[%dma_wait3A_215, %dma_wait3A_216, %dma_wait3A_217] : memref<2x8x6144xf32, #tpu.memory_space<vmem>> -> memref<1x8x6144xf32, #tpu.memory_space<vmem>>
      %dma_wait3A_219 = tpu.memref_squeeze %dma_wait3A_218 : memref<1x8x6144xf32, #tpu.memory_space<vmem>> -> memref<8x6144xf32, #tpu.memory_space<vmem>>
      %dma_wait3A_220 = arith.constant 0 : i32
      %dma_wait3A_221 = arith.constant 0 : i32
      %dma_wait3A_222 = tpu.memref_slice %arg2[%dma_wait3A_220, %dma_wait3A_221] : memref<50432x6144xf32, #tpu.memory_space<hbm>> -> memref<8x6144xf32, #tpu.memory_space<hbm>>
      %dma_wait3A_223 = arith.constant 0 : i32
      %dma_wait3A_224 = arith.constant 0 : i32
      %dma_wait3A_225 = tpu.memref_slice %arg6[%dma_wait3A_215, %dma_wait3A_223, %dma_wait3A_224] : memref<2x8x6144xf32, #tpu.memory_space<vmem>> -> memref<1x8x6144xf32, #tpu.memory_space<vmem>>
      %dma_wait3A_226 = tpu.memref_squeeze %dma_wait3A_225 : memref<1x8x6144xf32, #tpu.memory_space<vmem>> -> memref<8x6144xf32, #tpu.memory_space<vmem>>
      %dma_wait3A_227 = arith.constant 0 : i32
      %dma_wait3A_228 = arith.constant 0 : i32
      %dma_wait3A_229 = tpu.memref_slice %arg2[%dma_wait3A_227, %dma_wait3A_228] : memref<50432x6144xf32, #tpu.memory_space<hbm>> -> memref<8x6144xf32, #tpu.memory_space<hbm>>
      tpu.wait_dma2 semaphore(%arg8 : memref<!tpu.dma_semaphore, #tpu.memory_space<semaphore_mem>>) src(%dma_wait3A_229 : memref<8x6144xf32, #tpu.memory_space<hbm>>) dst(%dma_wait3A_226 : memref<8x6144xf32, #tpu.memory_space<vmem>>)
      %mul3A_230 = arith.constant 8 : i32
      %mul3A_231 = arith.muli %add3A_214, %mul3A_230 : i32
      %add3A_232 = arith.addi %mul3A_2, %mul3A_231 : i32
      %multiple_of3A_233 = tpu.assume_multiple %add3A_232, 8 : i32
      %dma_start3A_234 = arith.constant 1 : i32
      %dma_start3A_235 = arith.constant 0 : i32
      %dma_start3A_236 = arith.constant 0 : i32
      %dma_start3A_237 = tpu.memref_slice %arg6[%dma_start3A_234, %dma_start3A_235, %dma_start3A_236] : memref<2x8x6144xf32, #tpu.memory_space<vmem>> -> memref<1x8x6144xf32, #tpu.memory_space<vmem>>
      %dma_start3A_238 = tpu.memref_squeeze %dma_start3A_237 : memref<1x8x6144xf32, #tpu.memory_space<vmem>> -> memref<8x6144xf32, #tpu.memory_space<vmem>>
      %dma_start3A_239 = arith.constant 0 : i32
      %dma_start3A_240 = tpu.memref_slice %arg4[%multiple_of3A_233, %dma_start3A_239] : memref<8192x6144xf32, #tpu.memory_space<hbm>> -> memref<8x6144xf32, #tpu.memory_space<hbm>>
      %dma_start3A_241 = arith.constant 0 : i32
      %dma_start3A_242 = tpu.memref_slice %arg4[%multiple_of3A_233, %dma_start3A_241] : memref<8192x6144xf32, #tpu.memory_space<hbm>> -> memref<8x6144xf32, #tpu.memory_space<hbm>>
      %dma_start3A_243 = arith.constant 0 : i32
      %dma_start3A_244 = arith.constant 0 : i32
      %dma_start3A_245 = tpu.memref_slice %arg6[%dma_start3A_234, %dma_start3A_243, %dma_start3A_244] : memref<2x8x6144xf32, #tpu.memory_space<vmem>> -> memref<1x8x6144xf32, #tpu.memory_space<vmem>>
      %dma_start3A_246 = tpu.memref_squeeze %dma_start3A_245 : memref<1x8x6144xf32, #tpu.memory_space<vmem>> -> memref<8x6144xf32, #tpu.memory_space<vmem>>
      tpu.enqueue_dma source(%dma_start3A_246 : memref<8x6144xf32, #tpu.memory_space<vmem>>) target(%dma_start3A_242 : memref<8x6144xf32, #tpu.memory_space<hbm>>) target_semaphore(%arg10 : memref<!tpu.dma_semaphore, #tpu.memory_space<semaphore_mem>>)
      %dma_wait3A_247 = arith.constant 1 : i32
      %dma_wait3A_248 = arith.constant 0 : i32
      %dma_wait3A_249 = arith.constant 0 : i32
      %dma_wait3A_250 = tpu.memref_slice %arg6[%dma_wait3A_247, %dma_wait3A_248, %dma_wait3A_249] : memref<2x8x6144xf32, #tpu.memory_space<vmem>> -> memref<1x8x6144xf32, #tpu.memory_space<vmem>>
      %dma_wait3A_251 = tpu.memref_squeeze %dma_wait3A_250 : memref<1x8x6144xf32, #tpu.memory_space<vmem>> -> memref<8x6144xf32, #tpu.memory_space<vmem>>
      %dma_wait3A_252 = arith.constant 0 : i32
      %dma_wait3A_253 = tpu.memref_slice %arg4[%mul3A_2, %dma_wait3A_252] : memref<8192x6144xf32, #tpu.memory_space<hbm>> -> memref<8x6144xf32, #tpu.memory_space<hbm>>
      %dma_wait3A_254 = arith.constant 0 : i32
      %dma_wait3A_255 = tpu.memref_slice %arg4[%mul3A_2, %dma_wait3A_254] : memref<8192x6144xf32, #tpu.memory_space<hbm>> -> memref<8x6144xf32, #tpu.memory_space<hbm>>
      %dma_wait3A_256 = arith.constant 0 : i32
      %dma_wait3A_257 = arith.constant 0 : i32
      %dma_wait3A_258 = tpu.memref_slice %arg6[%dma_wait3A_247, %dma_wait3A_256, %dma_wait3A_257] : memref<2x8x6144xf32, #tpu.memory_space<vmem>> -> memref<1x8x6144xf32, #tpu.memory_space<vmem>>
      %dma_wait3A_259 = tpu.memref_squeeze %dma_wait3A_258 : memref<1x8x6144xf32, #tpu.memory_space<vmem>> -> memref<8x6144xf32, #tpu.memory_space<vmem>>
      tpu.wait_dma2 semaphore(%arg10 : memref<!tpu.dma_semaphore, #tpu.memory_space<semaphore_mem>>) src(%dma_wait3A_259 : memref<8x6144xf32, #tpu.memory_space<vmem>>) dst(%dma_wait3A_255 : memref<8x6144xf32, #tpu.memory_space<hbm>>)
      %add3A_260 = arith.constant 2 : i32
      %add3A_261 = arith.addi %add3A_214, %add3A_260 : i32
      %mul3A_262 = arith.constant 8 : i32
      %mul3A_263 = arith.muli %add3A_261, %mul3A_262 : i32
      %multiple_of3A_264 = tpu.assume_multiple %mul3A_263, 8 : i32
      %dma_start3A_265 = arith.constant 1 : i32
      %dma_start3A_266 = arith.constant 0 : i32
      %dma_start3A_267 = arith.constant 0 : i32
      %dma_start3A_268 = tpu.memref_slice %arg6[%dma_start3A_265, %dma_start3A_266, %dma_start3A_267] : memref<2x8x6144xf32, #tpu.memory_space<vmem>> -> memref<1x8x6144xf32, #tpu.memory_space<vmem>>
      %dma_start3A_269 = tpu.memref_squeeze %dma_start3A_268 : memref<1x8x6144xf32, #tpu.memory_space<vmem>> -> memref<8x6144xf32, #tpu.memory_space<vmem>>
      %dma_start3A_270 = tpu.memref_slice %arg5[%multiple_of3A_264] : memref<256xi32, #tpu.memory_space<vmem>> -> memref<8xi32, #tpu.memory_space<vmem>>
      %dma_start3A_271 = arith.constant 0 : i32
      %dma_start3A_272 = arith.constant 0 : i32
      %dma_start3A_273 = tpu.memref_slice %arg2[%dma_start3A_271, %dma_start3A_272] : memref<50432x6144xf32, #tpu.memory_space<hbm>> -> memref<50432x6144xf32, #tpu.memory_space<hbm>>
      tpu.enqueue_indirect_dma source(%dma_start3A_273 : memref<50432x6144xf32, #tpu.memory_space<hbm>>) target(%dma_start3A_269 : memref<8x6144xf32, #tpu.memory_space<vmem>>) offsets(%dma_start3A_270 : memref<8xi32, #tpu.memory_space<vmem>>) semaphore(%arg8 : memref<!tpu.dma_semaphore, #tpu.memory_space<semaphore_mem>>)
    }
    %scan3A_59 = arith.constant 15 : i32
    %dma_wait3A = arith.constant 0 : i32
    %dma_wait3A_60 = arith.constant 0 : i32
    %dma_wait3A_61 = arith.constant 0 : i32
    %dma_wait3A_62 = tpu.memref_slice %arg6[%dma_wait3A, %dma_wait3A_60, %dma_wait3A_61] : memref<2x8x6144xf32, #tpu.memory_space<vmem>> -> memref<1x8x6144xf32, #tpu.memory_space<vmem>>
    %dma_wait3A_63 = tpu.memref_squeeze %dma_wait3A_62 : memref<1x8x6144xf32, #tpu.memory_space<vmem>> -> memref<8x6144xf32, #tpu.memory_space<vmem>>
    %dma_wait3A_64 = arith.constant 0 : i32
    %dma_wait3A_65 = arith.constant 0 : i32
    %dma_wait3A_66 = tpu.memref_slice %arg2[%dma_wait3A_64, %dma_wait3A_65] : memref<50432x6144xf32, #tpu.memory_space<hbm>> -> memref<8x6144xf32, #tpu.memory_space<hbm>>
    %dma_wait3A_67 = arith.constant 0 : i32
    %dma_wait3A_68 = arith.constant 0 : i32
    %dma_wait3A_69 = tpu.memref_slice %arg6[%dma_wait3A, %dma_wait3A_67, %dma_wait3A_68] : memref<2x8x6144xf32, #tpu.memory_space<vmem>> -> memref<1x8x6144xf32, #tpu.memory_space<vmem>>
    %dma_wait3A_70 = tpu.memref_squeeze %dma_wait3A_69 : memref<1x8x6144xf32, #tpu.memory_space<vmem>> -> memref<8x6144xf32, #tpu.memory_space<vmem>>
    %dma_wait3A_71 = arith.constant 0 : i32
    %dma_wait3A_72 = arith.constant 0 : i32
    %dma_wait3A_73 = tpu.memref_slice %arg2[%dma_wait3A_71, %dma_wait3A_72] : memref<50432x6144xf32, #tpu.memory_space<hbm>> -> memref<8x6144xf32, #tpu.memory_space<hbm>>
    tpu.wait_dma2 semaphore(%arg7 : memref<!tpu.dma_semaphore, #tpu.memory_space<semaphore_mem>>) src(%dma_wait3A_73 : memref<8x6144xf32, #tpu.memory_space<hbm>>) dst(%dma_wait3A_70 : memref<8x6144xf32, #tpu.memory_space<vmem>>)
    %add3A_74 = arith.constant 240 : i32
    %add3A_75 = arith.addi %mul3A_2, %add3A_74 : i32
    %multiple_of3A_76 = tpu.assume_multiple %add3A_75, 8 : i32
    %dma_start3A_77 = arith.constant 0 : i32
    %dma_start3A_78 = arith.constant 0 : i32
    %dma_start3A_79 = arith.constant 0 : i32
    %dma_start3A_80 = tpu.memref_slice %arg6[%dma_start3A_77, %dma_start3A_78, %dma_start3A_79] : memref<2x8x6144xf32, #tpu.memory_space<vmem>> -> memref<1x8x6144xf32, #tpu.memory_space<vmem>>
    %dma_start3A_81 = tpu.memref_squeeze %dma_start3A_80 : memref<1x8x6144xf32, #tpu.memory_space<vmem>> -> memref<8x6144xf32, #tpu.memory_space<vmem>>
    %dma_start3A_82 = arith.constant 0 : i32
    %dma_start3A_83 = tpu.memref_slice %arg4[%multiple_of3A_76, %dma_start3A_82] : memref<8192x6144xf32, #tpu.memory_space<hbm>> -> memref<8x6144xf32, #tpu.memory_space<hbm>>
    %dma_start3A_84 = arith.constant 0 : i32
    %dma_start3A_85 = tpu.memref_slice %arg4[%multiple_of3A_76, %dma_start3A_84] : memref<8192x6144xf32, #tpu.memory_space<hbm>> -> memref<8x6144xf32, #tpu.memory_space<hbm>>
    %dma_start3A_86 = arith.constant 0 : i32
    %dma_start3A_87 = arith.constant 0 : i32
    %dma_start3A_88 = tpu.memref_slice %arg6[%dma_start3A_77, %dma_start3A_86, %dma_start3A_87] : memref<2x8x6144xf32, #tpu.memory_space<vmem>> -> memref<1x8x6144xf32, #tpu.memory_space<vmem>>
    %dma_start3A_89 = tpu.memref_squeeze %dma_start3A_88 : memref<1x8x6144xf32, #tpu.memory_space<vmem>> -> memref<8x6144xf32, #tpu.memory_space<vmem>>
    tpu.enqueue_dma source(%dma_start3A_89 : memref<8x6144xf32, #tpu.memory_space<vmem>>) target(%dma_start3A_85 : memref<8x6144xf32, #tpu.memory_space<hbm>>) target_semaphore(%arg9 : memref<!tpu.dma_semaphore, #tpu.memory_space<semaphore_mem>>)
    %dma_wait3A_90 = arith.constant 1 : i32
    %dma_wait3A_91 = arith.constant 0 : i32
    %dma_wait3A_92 = arith.constant 0 : i32
    %dma_wait3A_93 = tpu.memref_slice %arg6[%dma_wait3A_90, %dma_wait3A_91, %dma_wait3A_92] : memref<2x8x6144xf32, #tpu.memory_space<vmem>> -> memref<1x8x6144xf32, #tpu.memory_space<vmem>>
    %dma_wait3A_94 = tpu.memref_squeeze %dma_wait3A_93 : memref<1x8x6144xf32, #tpu.memory_space<vmem>> -> memref<8x6144xf32, #tpu.memory_space<vmem>>
    %dma_wait3A_95 = arith.constant 0 : i32
    %dma_wait3A_96 = arith.constant 0 : i32
    %dma_wait3A_97 = tpu.memref_slice %arg2[%dma_wait3A_95, %dma_wait3A_96] : memref<50432x6144xf32, #tpu.memory_space<hbm>> -> memref<8x6144xf32, #tpu.memory_space<hbm>>
    %dma_wait3A_98 = arith.constant 0 : i32
    %dma_wait3A_99 = arith.constant 0 : i32
    %dma_wait3A_100 = tpu.memref_slice %arg6[%dma_wait3A_90, %dma_wait3A_98, %dma_wait3A_99] : memref<2x8x6144xf32, #tpu.memory_space<vmem>> -> memref<1x8x6144xf32, #tpu.memory_space<vmem>>
    %dma_wait3A_101 = tpu.memref_squeeze %dma_wait3A_100 : memref<1x8x6144xf32, #tpu.memory_space<vmem>> -> memref<8x6144xf32, #tpu.memory_space<vmem>>
    %dma_wait3A_102 = arith.constant 0 : i32
    %dma_wait3A_103 = arith.constant 0 : i32
    %dma_wait3A_104 = tpu.memref_slice %arg2[%dma_wait3A_102, %dma_wait3A_103] : memref<50432x6144xf32, #tpu.memory_space<hbm>> -> memref<8x6144xf32, #tpu.memory_space<hbm>>
    tpu.wait_dma2 semaphore(%arg8 : memref<!tpu.dma_semaphore, #tpu.memory_space<semaphore_mem>>) src(%dma_wait3A_104 : memref<8x6144xf32, #tpu.memory_space<hbm>>) dst(%dma_wait3A_101 : memref<8x6144xf32, #tpu.memory_space<vmem>>)
    %add3A_105 = arith.constant 248 : i32
    %add3A_106 = arith.addi %mul3A_2, %add3A_105 : i32
    %multiple_of3A_107 = tpu.assume_multiple %add3A_106, 8 : i32
    %dma_start3A_108 = arith.constant 1 : i32
    %dma_start3A_109 = arith.constant 0 : i32
    %dma_start3A_110 = arith.constant 0 : i32
    %dma_start3A_111 = tpu.memref_slice %arg6[%dma_start3A_108, %dma_start3A_109, %dma_start3A_110] : memref<2x8x6144xf32, #tpu.memory_space<vmem>> -> memref<1x8x6144xf32, #tpu.memory_space<vmem>>
    %dma_start3A_112 = tpu.memref_squeeze %dma_start3A_111 : memref<1x8x6144xf32, #tpu.memory_space<vmem>> -> memref<8x6144xf32, #tpu.memory_space<vmem>>
    %dma_start3A_113 = arith.constant 0 : i32
    %dma_start3A_114 = tpu.memref_slice %arg4[%multiple_of3A_107, %dma_start3A_113] : memref<8192x6144xf32, #tpu.memory_space<hbm>> -> memref<8x6144xf32, #tpu.memory_space<hbm>>
    %dma_start3A_115 = arith.constant 0 : i32
    %dma_start3A_116 = tpu.memref_slice %arg4[%multiple_of3A_107, %dma_start3A_115] : memref<8192x6144xf32, #tpu.memory_space<hbm>> -> memref<8x6144xf32, #tpu.memory_space<hbm>>
    %dma_start3A_117 = arith.constant 0 : i32
    %dma_start3A_118 = arith.constant 0 : i32
    %dma_start3A_119 = tpu.memref_slice %arg6[%dma_start3A_108, %dma_start3A_117, %dma_start3A_118] : memref<2x8x6144xf32, #tpu.memory_space<vmem>> -> memref<1x8x6144xf32, #tpu.memory_space<vmem>>
    %dma_start3A_120 = tpu.memref_squeeze %dma_start3A_119 : memref<1x8x6144xf32, #tpu.memory_space<vmem>> -> memref<8x6144xf32, #tpu.memory_space<vmem>>
    tpu.enqueue_dma source(%dma_start3A_120 : memref<8x6144xf32, #tpu.memory_space<vmem>>) target(%dma_start3A_116 : memref<8x6144xf32, #tpu.memory_space<hbm>>) target_semaphore(%arg10 : memref<!tpu.dma_semaphore, #tpu.memory_space<semaphore_mem>>)
    %dma_wait3A_121 = arith.constant 0 : i32
    %dma_wait3A_122 = arith.constant 0 : i32
    %dma_wait3A_123 = arith.constant 0 : i32
    %dma_wait3A_124 = tpu.memref_slice %arg6[%dma_wait3A_121, %dma_wait3A_122, %dma_wait3A_123] : memref<2x8x6144xf32, #tpu.memory_space<vmem>> -> memref<1x8x6144xf32, #tpu.memory_space<vmem>>
    %dma_wait3A_125 = tpu.memref_squeeze %dma_wait3A_124 : memref<1x8x6144xf32, #tpu.memory_space<vmem>> -> memref<8x6144xf32, #tpu.memory_space<vmem>>
    %dma_wait3A_126 = arith.constant 0 : i32
    %dma_wait3A_127 = tpu.memref_slice %arg4[%mul3A_2, %dma_wait3A_126] : memref<8192x6144xf32, #tpu.memory_space<hbm>> -> memref<8x6144xf32, #tpu.memory_space<hbm>>
    %dma_wait3A_128 = arith.constant 0 : i32
    %dma_wait3A_129 = tpu.memref_slice %arg4[%mul3A_2, %dma_wait3A_128] : memref<8192x6144xf32, #tpu.memory_space<hbm>> -> memref<8x6144xf32, #tpu.memory_space<hbm>>
    %dma_wait3A_130 = arith.constant 0 : i32
    %dma_wait3A_131 = arith.constant 0 : i32
    %dma_wait3A_132 = tpu.memref_slice %arg6[%dma_wait3A_121, %dma_wait3A_130, %dma_wait3A_131] : memref<2x8x6144xf32, #tpu.memory_space<vmem>> -> memref<1x8x6144xf32, #tpu.memory_space<vmem>>
    %dma_wait3A_133 = tpu.memref_squeeze %dma_wait3A_132 : memref<1x8x6144xf32, #tpu.memory_space<vmem>> -> memref<8x6144xf32, #tpu.memory_space<vmem>>
    tpu.wait_dma2 semaphore(%arg9 : memref<!tpu.dma_semaphore, #tpu.memory_space<semaphore_mem>>) src(%dma_wait3A_133 : memref<8x6144xf32, #tpu.memory_space<vmem>>) dst(%dma_wait3A_129 : memref<8x6144xf32, #tpu.memory_space<hbm>>)
    %dma_wait3A_134 = arith.constant 1 : i32
    %dma_wait3A_135 = arith.constant 0 : i32
    %dma_wait3A_136 = arith.constant 0 : i32
    %dma_wait3A_137 = tpu.memref_slice %arg6[%dma_wait3A_134, %dma_wait3A_135, %dma_wait3A_136] : memref<2x8x6144xf32, #tpu.memory_space<vmem>> -> memref<1x8x6144xf32, #tpu.memory_space<vmem>>
    %dma_wait3A_138 = tpu.memref_squeeze %dma_wait3A_137 : memref<1x8x6144xf32, #tpu.memory_space<vmem>> -> memref<8x6144xf32, #tpu.memory_space<vmem>>
    %dma_wait3A_139 = arith.constant 0 : i32
    %dma_wait3A_140 = tpu.memref_slice %arg4[%mul3A_2, %dma_wait3A_139] : memref<8192x6144xf32, #tpu.memory_space<hbm>> -> memref<8x6144xf32, #tpu.memory_space<hbm>>
    %dma_wait3A_141 = arith.constant 0 : i32
    %dma_wait3A_142 = tpu.memref_slice %arg4[%mul3A_2, %dma_wait3A_141] : memref<8192x6144xf32, #tpu.memory_space<hbm>> -> memref<8x6144xf32, #tpu.memory_space<hbm>>
    %dma_wait3A_143 = arith.constant 0 : i32
    %dma_wait3A_144 = arith.constant 0 : i32
    %dma_wait3A_145 = tpu.memref_slice %arg6[%dma_wait3A_134, %dma_wait3A_143, %dma_wait3A_144] : memref<2x8x6144xf32, #tpu.memory_space<vmem>> -> memref<1x8x6144xf32, #tpu.memory_space<vmem>>
    %dma_wait3A_146 = tpu.memref_squeeze %dma_wait3A_145 : memref<1x8x6144xf32, #tpu.memory_space<vmem>> -> memref<8x6144xf32, #tpu.memory_space<vmem>>
    tpu.wait_dma2 semaphore(%arg10 : memref<!tpu.dma_semaphore, #tpu.memory_space<semaphore_mem>>) src(%dma_wait3A_146 : memref<8x6144xf32, #tpu.memory_space<vmem>>) dst(%dma_wait3A_142 : memref<8x6144xf32, #tpu.memory_space<hbm>>)
    return
  }
}

</mosaic_0001>

<sc_bundles>
// kernel: kernel.3.cloned.1.call-start
scs
__scs_entry_jumppad:
0x0: {  	(pc) =	sbr.rel $0x88, $3  }
0x1: {  	(tag) =	ssettag $0x0;
	lr =	simm.s32 $0x1  }
0x2: {  	[smem:$0x3F9F] =	sst lr;
	_ =	strace $0xD0000000  }
0x3: {  	_ = 	snop  }
0x4: {  	_ = 	snop  }
0x5: {  	_ = 	snop  }
0x6: {  	_ = 	snop  }
0x7: {  	_ = 	snop  }
__scs_overlays_trampoline_lowered:
0x8: {  	[smem:$0x3FAE] =	sst s0  }
0x9: {  	[smem:$0x3FAF] =	sst s1  }
0xa: {  	[smem:$0x3FB0] =	sst s2  }
0xb: {  	[smem:$0x3FB1] =	sst s3  }
0xc: {  	[smem:$0x3FB2] =	sst s4  }
0xd: {  	[smem:$0x3FB3] =	sst s5  }
0xe: {  	[smem:$0x3FB4] =	sst s6  }
0xf: {  	[smem:$0x3FB5] =	sst s7  }
0x10: {  	[smem:$0x3FB6] =	sst s8  }
0x11: {  	[smem:$0x3FB7] =	sst s9;
	s0 =	simm.s32 @!p0 $0x0  }
0x12: {  	s1 =	sld [smem:$0x3F9D];
	s0 =	simm.s32 @p0 $0x1  }
0x13: {  	[smem:$0x3FB8] =	sst s0;
	s0 =	simm.s32 @!p1 $0x0  }
0x14: {  	s2 =	sld [smem:$0x3F9C];
	s0 =	simm.s32 @p1 $0x1  }
0x15: {  	[smem:$0x3FB9] =	sst s0;
	s0 =	simm.s32 @!p2 $0x0  }
0x16: {  	s3 =	sld [smem:$0x3FDB];
	s0 =	simm.s32 @p2 $0x1  }
0x17: {  	s4 =	simm.s32 $0x1BF5;
	[smem:$0x3FBB] =	sst s0  }
0x18: {  	s0 =	sld [smem:$0x3F9E];
	_ =	swait.ge [sflag:s4], $0x0  }
0x19: {  	s7 =	sld [smem:$0x3F9F]  }
0x1a: {  	s8 =	sadd.s32 $0xFFFFE003, lr  }
0x1b: {  	s9 =	sadd.s32 $0xFFFFFEF7, lr;
	s5 =	simm.s32 $0xFFFFFFFF;
	p2 =	slt.u32 s8, $0xFFFFF086  }
0x1c: {  	p1 =	slt.u32 s9, $0xF7A;
	s5 =	simm.s32 @!p2 $0x0  }
0x1d: {  	s5 =	simm.s32 @p1 $0x1;
	p0 =	seq.s32 s7, s2  }
0x1e: {  	s7 =	smul.u32 @!p0 $0xF7A, s2;
	p2 =	seq.s32 @!p0 s5, $0x0  }
0x1f: {  	s9 =	smul.u32 $0xF7A, s1;
	s8 =	simm.s32 @!p0 $0x1BF5;
	p2 =	por !p2, p0  }
0x20: {  	[sflag:s8] =	ssyncset.s32 @!p0 $0xFFFFF086;
	s6 =	sadd.s32 @!p0 s3, s7;
	s7 =	simm.s32 @!p0 $0x108  }
0x21: {  	s3 =	sadd.s32 s3, s9;
	s6 =	sadd.s32 @!p0 $0x88, s6;
	s7 =	simm.s32 @p2 $0x1082  }
0x22: {  	[simem:s7], [sflag:s8] =	dma.local @!p0 [hbm:s6], $0xF7A  }
0x23: {  	s9 =	sor.u32 $0xD0000000, s2;
	s6 =	simm.s32 $0x108;
	_ =	swait.ge @!p0 [sflag:s8], $0x0  }
0x24: {  	s3 =	sadd.s32 $0x88, s3;
	s6 =	simm.s32 @!p1 $0x1082;
	[sflag:s4] =	ssyncset.s32 $0xFFFFF086  }
0x25: {  	[simem:s6], [sflag:s4] =	dma.local [hbm:s3], $0xF7A  }
0x26: {  	[smem:$0x3F9F] =	sst s1;
	(tag) =	ssettag s2;
	_ =	strace s9  }
0x27: {  	s1 =	sld [smem:$0x3FAF]  }
0x28: {  	s2 =	sld [smem:$0x3FB0]  }
0x29: {  	s4 =	sld [smem:$0x3FB2]  }
0x2a: {  	p0 =	seq.s32 s5, $0x0;
	s5 =	sld [smem:$0x3FB3]  }
0x2b: {  	s6 =	sld [smem:$0x3FB4]  }
0x2c: {  	s7 =	sld [smem:$0x3FB5]  }
0x2d: {  	s3 =	simm.s32 $0x108;
	s8 =	sld [smem:$0x3FB6]  }
0x2e: {  	s3 =	simm.s32 @!p0 $0x1082;
	s9 =	sld [smem:$0x3FB7]  }
0x2f: {  	lr =	sadd.s32 s0, s3;
	s0 =	sld [smem:$0x3FAE]  }
0x30: {  	s3 =	sld [smem:$0x3FB1]  }
0x31: {  	[smem:$0x3FBA] =	sst s10  }
0x32: {  	s10 =	sld [smem:$0x3FB8];
	_ =	sdelay $0x3  }
0x33: {  	p0 =	seq.s32 s10, $0x1;
	s10 =	sld [smem:$0x3FBA];
	_ =	sdelay $0x3  }
0x34: {  	[smem:$0x3FBA] =	sst s10  }
0x35: {  	s10 =	sld [smem:$0x3FB9];
	_ =	sdelay $0x3  }
0x36: {  	p1 =	seq.s32 s10, $0x1;
	s10 =	sld [smem:$0x3FBA];
	_ =	sdelay $0x3  }
0x37: {  	[smem:$0x3FBA] =	sst s10  }
0x38: {  	s10 =	sld [smem:$0x3FBB]  }
0x39: {  	_ = 	snop;
	(pc) =	sbr.ind lr, $3  }
0x3a: {  	_ = 	snop  }
0x3b: {  	_ = 	snop  }
0x3c: {  	p2 =	seq.s32 s10, $0x1;
	s10 =	sld [smem:$0x3FBA]  }
0x3d: {  	_ =	shalt  }
0x3e: {  	_ =	shalt  }
0x3f: {  	_ =	shalt  }
0x40: {  	_ =	shalt  }
0x41: {  	_ =	shalt  }
0x42: {  	_ =	shalt  }
0x43: {  	_ =	shalt  }
0x44: {  	_ =	shalt  }
0x45: {  	_ =	shalt  }
0x46: {  	_ =	shalt  }
0x47: {  	_ =	shalt  }
0x48: {  	_ =	shalt  }
0x49: {  	_ =	shalt  }
0x4a: {  	_ =	shalt  }
0x4b: {  	_ =	shalt  }
0x4c: {  	_ =	shalt  }
0x4d: {  	_ =	shalt  }
0x4e: {  	_ =	shalt  }
0x4f: {  	_ =	shalt  }
0x50: {  	_ =	shalt  }
0x51: {  	_ =	shalt  }
0x52: {  	_ =	shalt  }
0x53: {  	_ =	shalt  }
0x54: {  	_ =	shalt  }
0x55: {  	_ =	shalt  }
0x56: {  	_ =	shalt  }
0x57: {  	_ =	shalt  }
0x58: {  	_ =	shalt  }
0x59: {  	_ =	shalt  }
0x5a: {  	_ =	shalt  }
0x5b: {  	_ =	shalt  }
0x5c: {  	_ =	shalt  }
0x5d: {  	_ =	shalt  }
0x5e: {  	_ =	shalt  }
0x5f: {  	_ =	shalt  }
0x60: {  	_ =	shalt  }
0x61: {  	_ =	shalt  }
0x62: {  	_ =	shalt  }
0x63: {  	_ =	shalt  }
0x64: {  	_ =	shalt  }
0x65: {  	_ =	shalt  }
0x66: {  	_ =	shalt  }
0x67: {  	_ =	shalt  }
0x68: {  	_ =	shalt  }
0x69: {  	_ =	shalt  }
0x6a: {  	_ =	shalt  }
0x6b: {  	_ =	shalt  }
0x6c: {  	_ =	shalt  }
0x6d: {  	_ =	shalt  }
0x6e: {  	_ =	shalt  }
0x6f: {  	_ =	shalt  }
0x70: {  	_ =	shalt  }
0x71: {  	_ =	shalt  }
0x72: {  	_ =	shalt  }
0x73: {  	_ =	shalt  }
0x74: {  	_ =	shalt  }
0x75: {  	_ =	shalt  }
0x76: {  	_ =	shalt  }
0x77: {  	_ =	shalt  }
0x78: {  	_ =	shalt  }
0x79: {  	_ =	shalt  }
0x7a: {  	_ =	shalt  }
0x7b: {  	_ =	shalt  }
0x7c: {  	_ =	shalt  }
0x7d: {  	_ =	shalt  }
0x7e: {  	_ =	shalt  }
0x7f: {  	_ =	shalt  }
0x80: {  	_ =	shalt  }
0x81: {  	_ =	shalt  }
0x82: {  	_ =	shalt  }
0x83: {  	_ =	shalt  }
0x84: {  	_ =	shalt  }
0x85: {  	_ =	shalt  }
0x86: {  	_ =	shalt  }
0x87: {  	_ =	shalt  }
.Lfunc_end0:
.L_simem_size_0:
called_computation_lowered:
.L_overlay_start_0:
0x88: {  	s2 =	sld [smem:$0x3FD9]  }
0x89: {  	s3 =	sld [smem:$0x3FFE];
	_ =	sdelay $0x1  }
0x8a: {  	s1 =	srdreg.scid  }
0x8b: {  	s0 =	sand.u32 $0x1, s1  }
0x8c: {  	s18 =	sshll.u32 s0, $0xA;
	s2 =	sadd.s32 s3, s2  }
0x8d: {  	s2 =	sadd.s32 s2, s18  }
0x8e: {  	[smem:$0x3FC6] =	sst s2  }
0x8f: {  	_ = 	snop  }
0x90: {  	s2 =	sld [smem:$0x3FC9]  }
0x91: {  	s19 =	sld [smem:$0x3FC8]  }
0x92: {  	s4 =	sld [smem:$0x3FD0];
	(tm) =	ssettm $0x1  }
0x93: {  	s5 =	sld [smem:$0x3FFB];
	_ =	sdelay $0x3  }
0x94: {  	_ =	strace s5  }
0x95: {  	s5 =	sld [smem:$0x3FFC];
	_ =	sdelay $0x3  }
0x96: {  	_ =	strace s5  }
0x97: {  	s5 =	sld [smem:$0x3FFD];
	_ =	sdelay $0x3  }
0x98: {  	_ =	strace s5  }
0x99: {  	_ =	strace $0x8FFFFFFF  }
0x9a: {  	s20 =	sld [smem:$0x3FDB];
	_ =	sdelay $0x1  }
0x9b: {  	s6 =	simm.s32 $_scs_section_size  }
0x9c: {  	s7 =	simm.s32 $_size__tile_overlayer_lowered;
	s8 =	simm.s32 $_tile_overlayer_lowered  }
0x9d: {  	s23 =	simm.s32 $0x1BFF;
	s22 =	sshll.u32 s8, $0x1;
	s5 =	sadd.s32 s6, s20  }
0x9e: {  	s9 =	simm.s32 $0x0;
	s21 =	sshll.u32 s7, $0x1;
	s7 =	sadd.s32 s22, s5  }
0x9f: {  	[timem:s9], [sflag:s23] =	dma.local [hbm:s7], s21  }
0xa0: {  	_ =	swait.ge [sflag:s23], s21  }
0xa1: {  	s6 =	ssub.s32 $0x0, s21;
	[sflag:s23] =	ssyncset.done $0x0  }
0xa2: {  	[sflag:s23] =	ssyncadd.s32 s6;
	_ =	sdelay $0x1  }
0xa3: {  	s24 =	simm.s32 $0x1B8B  }
0xa4: {  	_ =	swait.ge [sflag:s24], $0x1  }
0xa5: {  	[sflag:s24] =	ssyncset.done $0x0  }
0xa6: {  	s25 =	simm.s32 $0x1B8E;
	[sflag:s24] =	ssyncadd.s32 $0xFFFFFFFF  }
0xa7: {  	s26 =	simm.s32 $execute0_lowered;
	[smem:$0x3FD2] =	sst s25  }
0xa8: {  	s6 =	sshll.u32 s26, $0x1;
	_ =	strace $0x80000046;
	[dreg:$0x1] =	wrdreg $0xFFFFFFFF  }
0xa9: {  	s28 =	simm.s32 $_size_execute0_lowered;
	s5 =	sadd.s32 s5, s6;
	[dreg:$0x0] =	wrdreg $0x0  }
0xaa: {  	s6 =	sshll.u32 s28, $0x1;
	[dreg:$0x2] =	wrdreg s5  }
0xab: {  	[dreg:$0x3] =	wrdreg s6  }
0xac: {  	[dreg:$0x4] =	wrdreg $0xC0  }
0xad: {  	_ =	task [dreg:s9], $0x5FFFF  }
0xae: {  	[dreg:$0x1] =	wrdreg $0xFFFFFFFF  }
0xaf: {  	[dreg:$0x0] =	wrdreg $0x60  }
0xb0: {  	[dreg:$0x2] =	wrdreg s19  }
0xb1: {  	[dreg:$0x3] =	wrdreg s2  }
0xb2: {  	[dreg:$0x4] =	wrdreg s4  }
0xb3: {  	[dreg:$0x5] =	wrdreg $0x9  }
0xb4: {  	_ =	task.clear_ibuf [dreg:s9], $0x6FFFF;
	_ =	strace $0x90000046  }
0xb5: {  	s29 =	simm.s32 $0x9;
	_ =	strace $0x80000048  }
0xb6: {  	_ =	swait.ge [sflag:s29], $0x1  }
0xb7: {  	[sflag:s29] =	ssyncadd.s32 $0xFFFFFFFF  }
0xb8: {  	_ =	strace $0x90000048  }
0xb9: {  	_ =	sfence  }
0xba: {  	s30 =	sld [smem:$0x0];
	_ =	sdelay $0x2  }
0xbb: {  	s31 =	sshll.u32 s1, $0xD;
	s1 =	sshrl.u32 s1, $0x2  }
0xbc: {  	s3 =	sand.u32 $0x4000, s31;
	s1 =	sadd.s32 s1, s30  }
0xbd: {  	s0 =	sor.u32 s3, s0;
	s1 =	sshll.u32 s1, $0x11  }
0xbe: {  	s0 =	sor.u32 s1, s0  }
0xbf: {  	s0 =	sadd.s32 $0x8F2B, s0  }
0xc0: {  	[sflag:s0] =	ssyncadd.remote.s32 $0x1  }
0xc1: {  	_ =	sfence.sel $0xFFFF  }
0xc2: {  	[dreg:$0x0] =	wrdreg $0xFFFFFFFF;
	(pc) =	sbr.abs _section_cstart, $3  }
0xc3: {  	[dreg:$0x1] =	wrdreg $0xFFFFFFFF  }
0xc4: {  	_ =	task.clear_ibuf [dreg:s9], $0x2FFFF;
	_ =	strace $0x9FFFFFFF  }
0xc5: {  	(tm) =	ssettm $0x7FFFFFFF  }
tec
execute0_lowered:
.L_overlay_start_1:
0x0: {  	(tag) =	ssettag $0x1  }
0x1: {  	s9 =	rddreg [dreg:$0x0]  }
0x2: {  	s0 =	rddreg [dreg:$0x1]  }
0x3: {  	s1 =	rddreg [dreg:$0x2];
	s3 =	simm.s32 $0x0;
	s2 =	srdreg.scid  }
0x4: {  	s16 =	stileid.u32;
	[smem:$0x7FF] =	sst s3  }
0x5: {  	s2 =	sand.u32 $0x1, s2;
	s4 =	sshll.u32 s16, $0x1;
	s5 =	sshll.u32 s16, $0x2  }
0x6: {  	s26 =	sshll.u32 s16, $0x9;
	_ =	strace $0x80000047;
	s4 =	sor.u32 s2, s4  }
0x7: {  	s6 =	ssub.s32 $0x2, s2;
	s5 =	sand.u32 $0x30, s5;
	s2 =	sshll.u32 s2, $0x8  }
0x8: {  	s7 =	sshll.u32 s4, $0x7;
	s8 =	sshrl.u32 s6, $0x1;
	s0 =	sadd.s32 s0, s5  }
0x9: {  	s5 =	smov.u32 s9;
	s4 =	smul.u32 $0x180000, s4;
	s7 =	sand.u32 $0x380, s7  }
0xa: {  	s22 =	ssub.s32 s6, s8;
	s6 =	sadd.s32 $0x100, s9;
	s8 =	sadd.s32 $0x300, s9  }
0xb: {  	s10 =	sadd.s32 $0x500, s5;
	s11 =	sadd.s32 $0x600, s5;
	s12 =	sadd.s32 $0x700, s5  }
0xc: {  	s13 =	sadd.s32 $0x800, s5;
	s14 =	sadd.s32 $0x900, s5;
	s15 =	sadd.s32 $0xA00, s5  }
0xd: {  	s17 =	sadd.s32 $0xB00, s5;
	s18 =	sadd.s32 $0xD00, s5;
	s19 =	sadd.s32 $0xE00, s5  }
0xe: {  	s23 =	sadd.s32 $0xF00, s5;
	s25 =	sadd.s32 $0x1000, s5;
	s21 =	sadd.s32 $0x1100, s5  }
0xf: {  	s28 =	sadd.s32 $0x1300, s5;
	s29 =	sadd.s32 $0x1400, s5;
	s30 =	sadd.s32 $0x1500, s5  }
0x10: {  	s31 =	sadd.s32 $0x1600, s5;
	s0 =	sadd.s32 s7, s0;
	s7 =	sadd.s32 $0x200, s9  }
0x11: {  	s9 =	sadd.s32 $0x400, s9;
	s16 =	smov.u32 s17;
	s17 =	sadd.s32 $0xC00, s5  }
0x12: {  	s4 =	sshrl.u32 s4, $0x3;
	[dreg:$0x4] =	wrdreg s0;
	s0 =	sor.u32 s2, s26  }
0x13: {  	s2 =	sadd.s32 s1, s4;
	s26 =	smax.u32 s22, $0x1;
	s22 =	smov.u32 s23  }
0x14: {  	s23 =	simm.s32 $0xC100;
	s4 =	simm.s32 $0x0;
	s0 =	sshrl.u32 s0, $0x3  }
0x15: {  	s20 =	sadd.s32 $0x2D000, s2;
	[dreg:$0x8] =	wrdreg s26;
	s0 =	smul.u32 $0x1800, s0  }
0x16: {  	v0 =	vlaneseq.u32;
	s24 =	sadd.s32 $0x2E800, s2;
	s26 =	sadd.s32 $0x1200, s5;
	[dreg:$0x6] =	wrdreg s20  }
0x17: {  	v1 =	vshrl.u32 v0, $0x3;
	[dreg:$0x7] =	wrdreg s24;
	s20 =	simm.s32 $0x100;
	s0 =	sadd.s32 s0, s1  }
0x18: {  	vm0 =	vmmov $0xffff;
	v0 =	vand.u32 $0x7, v0;
	v1 =	vmul.u32 $0x8, v1;
	s24 =	simm.s32 $0xC900;
	[dreg:$0x5] =	wrdreg s0;
	s0 =	sadd.s32 $0x1700, s5  }
.LBB2_1:
0x19: {  	[dreg:$0x9] =	wrdreg s4  }
0x1a: {  	s1 =	rddreg [dreg:$0x4];
	s2 =	simm.s32 $0x80;
	s4 =	simm.s32 $0x200  }
0x1b: {  	[tilespmem:s3], [sflag:$0x5] =	stream.strided.gather [hbm4b:s1+s2], $0x100, s4, s2, $0x38;
	[tilespmem:$0x18100] =	vst v63  }
0x1c: {  	s2 =	simm.s32 $0x5  }
0x1d: {  	_ =	swait.ge [sflag:s2], $0x100  }
0x1e: {  	[sflag:s2] =	ssyncset.done $0x0  }
0x1f: {  	[sflag:s2] =	ssyncadd.s32 $0xFFFFFF00  }
0x20: {  	v2 =	vld.msk [tilespmem:$0x0], $0xff;
	_ =	sdelay $0x4  }
0x21: {  	v3 =	vshrl.u32 v2, $0x3  }
0x22: {  	v3 =	vmul.u32 $0x180, v3  }
0x23: {  	v2 =	vand.u32 $0x7, v2  }
0x24: {  	v2 =	vor.u32 v2, v3  }
0x25: {  	v2 =	vperm.xlane v2, v0;
	_ =	sdelay $0x1  }
0x26: {  	v2 =	vadd.s32 v1, v2;
	_ =	sdelay $0x4  }
0x27: {  	[tilespmem:s20], [sflag:$0x1] =	stream.indirect_vreg.gather [hbm4b:s5+s3], $0x80, v2, vm0, $0xb8;
	[tilespmem:$0x18100] =	vst v63  }
0x28: {  	s4 =	simm.s32 $0x900  }
0x29: {  	[tilespmem:s4], [sflag:$0x1] =	stream.indirect_vreg.gather [hbm4b:s6+s3], $0x80, v2, vm0, $0xb8;
	[tilespmem:$0x18100] =	vst v63  }
0x2a: {  	s20 =	simm.s32 $0x1100  }
0x2b: {  	[tilespmem:s20], [sflag:$0x1] =	stream.indirect_vreg.gather [hbm4b:s7+s3], $0x80, v2, vm0, $0xb8;
	[tilespmem:$0x18100] =	vst v63  }
0x2c: {  	s2 =	simm.s32 $0x1900  }
0x2d: {  	[tilespmem:s2], [sflag:$0x1] =	stream.indirect_vreg.gather [hbm4b:s8+s3], $0x80, v2, vm0, $0xb8;
	[tilespmem:$0x18100] =	vst v63  }
0x2e: {  	s4 =	simm.s32 $0x2100  }
0x2f: {  	[tilespmem:s4], [sflag:$0x1] =	stream.indirect_vreg.gather [hbm4b:s9+s3], $0x80, v2, vm0, $0xb8;
	[tilespmem:$0x18100] =	vst v63  }
0x30: {  	s20 =	simm.s32 $0x2900  }
0x31: {  	[tilespmem:s20], [sflag:$0x1] =	stream.indirect_vreg.gather [hbm4b:s10+s3], $0x80, v2, vm0, $0xb8;
	[tilespmem:$0x18100] =	vst v63  }
0x32: {  	s2 =	simm.s32 $0x3100  }
0x33: {  	[tilespmem:s2], [sflag:$0x1] =	stream.indirect_vreg.gather [hbm4b:s11+s3], $0x80, v2, vm0, $0xb8;
	[tilespmem:$0x18100] =	vst v63  }
0x34: {  	s4 =	simm.s32 $0x3900  }
0x35: {  	[tilespmem:s4], [sflag:$0x1] =	stream.indirect_vreg.gather [hbm4b:s12+s3], $0x80, v2, vm0, $0xb8;
	[tilespmem:$0x18100] =	vst v63  }
0x36: {  	s20 =	simm.s32 $0x4100  }
0x37: {  	[tilespmem:s20], [sflag:$0x1] =	stream.indirect_vreg.gather [hbm4b:s13+s3], $0x80, v2, vm0, $0xb8;
	[tilespmem:$0x18100] =	vst v63  }
0x38: {  	s2 =	simm.s32 $0x4900  }
0x39: {  	[tilespmem:s2], [sflag:$0x1] =	stream.indirect_vreg.gather [hbm4b:s14+s3], $0x80, v2, vm0, $0xb8;
	[tilespmem:$0x18100] =	vst v63  }
0x3a: {  	s4 =	simm.s32 $0x5100  }
0x3b: {  	[tilespmem:s4], [sflag:$0x1] =	stream.indirect_vreg.gather [hbm4b:s15+s3], $0x80, v2, vm0, $0xb8;
	[tilespmem:$0x18100] =	vst v63  }
0x3c: {  	s20 =	simm.s32 $0x5900  }
0x3d: {  	[tilespmem:s20], [sflag:$0x1] =	stream.indirect_vreg.gather [hbm4b:s16+s3], $0x80, v2, vm0, $0xb8;
	[tilespmem:$0x18100] =	vst v63  }
0x3e: {  	s2 =	simm.s32 $0x6100  }
0x3f: {  	[tilespmem:s2], [sflag:$0x1] =	stream.indirect_vreg.gather [hbm4b:s17+s3], $0x80, v2, vm0, $0xb8;
	[tilespmem:$0x18100] =	vst v63  }
0x40: {  	s4 =	simm.s32 $0x6900  }
0x41: {  	[tilespmem:s4], [sflag:$0x1] =	stream.indirect_vreg.gather [hbm4b:s18+s3], $0x80, v2, vm0, $0xb8;
	[tilespmem:$0x18100] =	vst v63  }
0x42: {  	s20 =	simm.s32 $0x7100  }
0x43: {  	[tilespmem:s20], [sflag:$0x1] =	stream.indirect_vreg.gather [hbm4b:s19+s3], $0x80, v2, vm0, $0xb8;
	[tilespmem:$0x18100] =	vst v63  }
0x44: {  	s2 =	simm.s32 $0x7900  }
0x45: {  	[tilespmem:s2], [sflag:$0x1] =	stream.indirect_vreg.gather [hbm4b:s22+s3], $0x80, v2, vm0, $0xb8;
	[tilespmem:$0x18100] =	vst v63  }
0x46: {  	s4 =	simm.s32 $0x8100  }
0x47: {  	[tilespmem:s4], [sflag:$0x1] =	stream.indirect_vreg.gather [hbm4b:s25+s3], $0x80, v2, vm0, $0xb8;
	[tilespmem:$0x18100] =	vst v63  }
0x48: {  	s20 =	simm.s32 $0x8900  }
0x49: {  	[tilespmem:s20], [sflag:$0x1] =	stream.indirect_vreg.gather [hbm4b:s21+s3], $0x80, v2, vm0, $0xb8;
	[tilespmem:$0x18100] =	vst v63  }
0x4a: {  	s2 =	simm.s32 $0x9100  }
0x4b: {  	[tilespmem:s2], [sflag:$0x1] =	stream.indirect_vreg.gather [hbm4b:s26+s3], $0x80, v2, vm0, $0xb8;
	[tilespmem:$0x18100] =	vst v63  }
0x4c: {  	s4 =	simm.s32 $0x9900  }
0x4d: {  	[tilespmem:s4], [sflag:$0x1] =	stream.indirect_vreg.gather [hbm4b:s28+s3], $0x80, v2, vm0, $0xb8;
	[tilespmem:$0x18100] =	vst v63  }
0x4e: {  	s20 =	simm.s32 $0xA100  }
0x4f: {  	[tilespmem:s20], [sflag:$0x1] =	stream.indirect_vreg.gather [hbm4b:s29+s3], $0x80, v2, vm0, $0xb8;
	[tilespmem:$0x18100] =	vst v63  }
0x50: {  	s2 =	simm.s32 $0xA900  }
0x51: {  	[tilespmem:s2], [sflag:$0x1] =	stream.indirect_vreg.gather [hbm4b:s30+s3], $0x80, v2, vm0, $0xb8;
	[tilespmem:$0x18100] =	vst v63  }
0x52: {  	s4 =	simm.s32 $0xB100  }
0x53: {  	[tilespmem:s4], [sflag:$0x1] =	stream.indirect_vreg.gather [hbm4b:s31+s3], $0x80, v2, vm0, $0xb8;
	[tilespmem:$0x18100] =	vst v63  }
0x54: {  	s20 =	simm.s32 $0xB900  }
0x55: {  	[tilespmem:s20], [sflag:$0x1] =	stream.indirect_vreg.gather [hbm4b:s0+s3], $0x80, v2, vm0, $0xb8;
	[tilespmem:$0x18100] =	vst v63  }
0x56: {  	v2 =	vld.msk [tilespmem:$0x8], $0xff;
	_ =	sdelay $0x4  }
0x57: {  	v3 =	vshrl.u32 v2, $0x3  }
0x58: {  	v3 =	vmul.u32 $0x180, v3  }
0x59: {  	v2 =	vand.u32 $0x7, v2  }
0x5a: {  	v2 =	vor.u32 v2, v3  }
0x5b: {  	v2 =	vperm.xlane v2, v0;
	_ =	sdelay $0x1  }
0x5c: {  	v2 =	vadd.s32 v1, v2;
	_ =	sdelay $0x4  }
0x5d: {  	[tilespmem:s23], [sflag:$0x2] =	stream.indirect_vreg.gather [hbm4b:s5+s3], $0x80, v2, vm0, $0xb8;
	[tilespmem:$0x18100] =	vst v63  }
0x5e: {  	_ = 	snop  }
0x5f: {  	[tilespmem:s24], [sflag:$0x2] =	stream.indirect_vreg.gather [hbm4b:s6+s3], $0x80, v2, vm0, $0xb8;
	[tilespmem:$0x18100] =	vst v63  }
0x60: {  	s23 =	simm.s32 $0xD100  }
0x61: {  	[tilespmem:s23], [sflag:$0x2] =	stream.indirect_vreg.gather [hbm4b:s7+s3], $0x80, v2, vm0, $0xb8;
	[tilespmem:$0x18100] =	vst v63  }
0x62: {  	s24 =	simm.s32 $0xD900  }
0x63: {  	[tilespmem:s24], [sflag:$0x2] =	stream.indirect_vreg.gather [hbm4b:s8+s3], $0x80, v2, vm0, $0xb8;
	[tilespmem:$0x18100] =	vst v63  }
0x64: {  	s2 =	simm.s32 $0xE100  }
0x65: {  	[tilespmem:s2], [sflag:$0x2] =	stream.indirect_vreg.gather [hbm4b:s9+s3], $0x80, v2, vm0, $0xb8;
	[tilespmem:$0x18100] =	vst v63  }
0x66: {  	s4 =	simm.s32 $0xE900  }
0x67: {  	[tilespmem:s4], [sflag:$0x2] =	stream.indirect_vreg.gather [hbm4b:s10+s3], $0x80, v2, vm0, $0xb8;
	[tilespmem:$0x18100] =	vst v63  }
0x68: {  	s20 =	simm.s32 $0xF100  }
0x69: {  	[tilespmem:s20], [sflag:$0x2] =	stream.indirect_vreg.gather [hbm4b:s11+s3], $0x80, v2, vm0, $0xb8;
	[tilespmem:$0x18100] =	vst v63  }
0x6a: {  	s23 =	simm.s32 $0xF900  }
0x6b: {  	[tilespmem:s23], [sflag:$0x2] =	stream.indirect_vreg.gather [hbm4b:s12+s3], $0x80, v2, vm0, $0xb8;
	[tilespmem:$0x18100] =	vst v63  }
0x6c: {  	s24 =	simm.s32 $0x10100  }
0x6d: {  	[tilespmem:s24], [sflag:$0x2] =	stream.indirect_vreg.gather [hbm4b:s13+s3], $0x80, v2, vm0, $0xb8;
	[tilespmem:$0x18100] =	vst v63  }
0x6e: {  	s2 =	simm.s32 $0x10900  }
0x6f: {  	[tilespmem:s2], [sflag:$0x2] =	stream.indirect_vreg.gather [hbm4b:s14+s3], $0x80, v2, vm0, $0xb8;
	[tilespmem:$0x18100] =	vst v63  }
0x70: {  	s4 =	simm.s32 $0x11100  }
0x71: {  	[tilespmem:s4], [sflag:$0x2] =	stream.indirect_vreg.gather [hbm4b:s15+s3], $0x80, v2, vm0, $0xb8;
	[tilespmem:$0x18100] =	vst v63  }
0x72: {  	s20 =	simm.s32 $0x11900  }
0x73: {  	[tilespmem:s20], [sflag:$0x2] =	stream.indirect_vreg.gather [hbm4b:s16+s3], $0x80, v2, vm0, $0xb8;
	[tilespmem:$0x18100] =	vst v63  }
0x74: {  	s23 =	simm.s32 $0x12100  }
0x75: {  	[tilespmem:s23], [sflag:$0x2] =	stream.indirect_vreg.gather [hbm4b:s17+s3], $0x80, v2, vm0, $0xb8;
	[tilespmem:$0x18100] =	vst v63  }
0x76: {  	s24 =	simm.s32 $0x12900  }
0x77: {  	[tilespmem:s24], [sflag:$0x2] =	stream.indirect_vreg.gather [hbm4b:s18+s3], $0x80, v2, vm0, $0xb8;
	[tilespmem:$0x18100] =	vst v63  }
0x78: {  	s2 =	simm.s32 $0x13100  }
0x79: {  	[tilespmem:s2], [sflag:$0x2] =	stream.indirect_vreg.gather [hbm4b:s19+s3], $0x80, v2, vm0, $0xb8;
	[tilespmem:$0x18100] =	vst v63  }
0x7a: {  	s4 =	simm.s32 $0x13900  }
0x7b: {  	[tilespmem:s4], [sflag:$0x2] =	stream.indirect_vreg.gather [hbm4b:s22+s3], $0x80, v2, vm0, $0xb8;
	[tilespmem:$0x18100] =	vst v63  }
0x7c: {  	s20 =	simm.s32 $0x14100  }
0x7d: {  	[tilespmem:s20], [sflag:$0x2] =	stream.indirect_vreg.gather [hbm4b:s25+s3], $0x80, v2, vm0, $0xb8;
	[tilespmem:$0x18100] =	vst v63  }
0x7e: {  	s23 =	simm.s32 $0x14900  }
0x7f: {  	[tilespmem:s23], [sflag:$0x2] =	stream.indirect_vreg.gather [hbm4b:s21+s3], $0x80, v2, vm0, $0xb8;
	[tilespmem:$0x18100] =	vst v63  }
0x80: {  	s24 =	simm.s32 $0x15100  }
0x81: {  	[tilespmem:s24], [sflag:$0x2] =	stream.indirect_vreg.gather [hbm4b:s26+s3], $0x80, v2, vm0, $0xb8;
	[tilespmem:$0x18100] =	vst v63  }
0x82: {  	s2 =	simm.s32 $0x15900  }
0x83: {  	[tilespmem:s2], [sflag:$0x2] =	stream.indirect_vreg.gather [hbm4b:s28+s3], $0x80, v2, vm0, $0xb8;
	[tilespmem:$0x18100] =	vst v63  }
0x84: {  	s4 =	simm.s32 $0x16100  }
0x85: {  	[tilespmem:s4], [sflag:$0x2] =	stream.indirect_vreg.gather [hbm4b:s29+s3], $0x80, v2, vm0, $0xb8;
	[tilespmem:$0x18100] =	vst v63  }
0x86: {  	s20 =	simm.s32 $0x16900  }
0x87: {  	[tilespmem:s20], [sflag:$0x2] =	stream.indirect_vreg.gather [hbm4b:s30+s3], $0x80, v2, vm0, $0xb8;
	[tilespmem:$0x18100] =	vst v63  }
0x88: {  	s23 =	simm.s32 $0x17100  }
0x89: {  	[tilespmem:s23], [sflag:$0x2] =	stream.indirect_vreg.gather [hbm4b:s31+s3], $0x80, v2, vm0, $0xb8;
	[tilespmem:$0x18100] =	vst v63  }
0x8a: {  	s1 =	rddreg [dreg:$0x5];
	s24 =	simm.s32 $0x17900;
	s4 =	simm.s32 $0x0  }
0x8b: {  	[tilespmem:s24], [sflag:$0x2] =	stream.indirect_vreg.gather [hbm4b:s0+s3], $0x80, v2, vm0, $0xb8;
	[tilespmem:$0x18100] =	vst v63  }
.LBB2_2:
0x8c: {  	s2 =	simm.s32 $0x1  }
0x8d: {  	_ =	swait.ge [sflag:s2], $0xC000  }
0x8e: {  	[sflag:s2] =	ssyncset.done $0x0  }
0x8f: {  	s24 =	simm.s32 $0x100;
	s20 =	simm.s32 $0x3;
	[sflag:s2] =	ssyncadd.s32 $0xFFFF4000  }
0x90: {  	[hbm4b:s1+s3] =	stream.linear.scatter [tilespmem:s24], [sflag:$0x3], $0xC000, $0x38;
	[tilespmem:$0x18100] =	vst v63  }
0x91: {  	_ =	swait.ge [sflag:s20], $0xC000  }
0x92: {  	s23 =	smov.u32 s21;
	[sflag:s20] =	ssyncset.done $0x0  }
0x93: {  	s21 =	smov.u32 s25;
	s25 =	sshra.s32 s4, $0x2;
	[sflag:s20] =	ssyncadd.s32 $0xFFFF4000  }
0x94: {  	v2 =	vld.msk [tilespmem:s25+$0x10], $0xff;
	_ =	sdelay $0x4  }
0x95: {  	v3 =	vshrl.u32 v2, $0x3  }
0x96: {  	v3 =	vmul.u32 $0x180, v3  }
0x97: {  	v2 =	vand.u32 $0x7, v2  }
0x98: {  	v2 =	vor.u32 v2, v3  }
0x99: {  	v2 =	vperm.xlane v2, v0;
	_ =	sdelay $0x1  }
0x9a: {  	v2 =	vadd.s32 v1, v2;
	_ =	sdelay $0x4  }
0x9b: {  	[tilespmem:s24], [sflag:$0x1] =	stream.indirect_vreg.gather [hbm4b:s5+s3], $0x80, v2, vm0, $0xb8;
	[tilespmem:$0x18100] =	vst v63  }
0x9c: {  	s24 =	simm.s32 $0x900  }
0x9d: {  	[tilespmem:s24], [sflag:$0x1] =	stream.indirect_vreg.gather [hbm4b:s6+s3], $0x80, v2, vm0, $0xb8;
	[tilespmem:$0x18100] =	vst v63  }
0x9e: {  	s24 =	simm.s32 $0x1100  }
0x9f: {  	[tilespmem:s24], [sflag:$0x1] =	stream.indirect_vreg.gather [hbm4b:s7+s3], $0x80, v2, vm0, $0xb8;
	[tilespmem:$0x18100] =	vst v63  }
0xa0: {  	s24 =	simm.s32 $0x1900  }
0xa1: {  	[tilespmem:s24], [sflag:$0x1] =	stream.indirect_vreg.gather [hbm4b:s8+s3], $0x80, v2, vm0, $0xb8;
	[tilespmem:$0x18100] =	vst v63  }
0xa2: {  	s24 =	simm.s32 $0x2100  }
0xa3: {  	[tilespmem:s24], [sflag:$0x1] =	stream.indirect_vreg.gather [hbm4b:s9+s3], $0x80, v2, vm0, $0xb8;
	[tilespmem:$0x18100] =	vst v63  }
0xa4: {  	s24 =	simm.s32 $0x2900  }
0xa5: {  	[tilespmem:s24], [sflag:$0x1] =	stream.indirect_vreg.gather [hbm4b:s10+s3], $0x80, v2, vm0, $0xb8;
	[tilespmem:$0x18100] =	vst v63  }
0xa6: {  	s24 =	simm.s32 $0x3100  }
0xa7: {  	[tilespmem:s24], [sflag:$0x1] =	stream.indirect_vreg.gather [hbm4b:s11+s3], $0x80, v2, vm0, $0xb8;
	[tilespmem:$0x18100] =	vst v63  }
0xa8: {  	s24 =	simm.s32 $0x3900  }
0xa9: {  	[tilespmem:s24], [sflag:$0x1] =	stream.indirect_vreg.gather [hbm4b:s12+s3], $0x80, v2, vm0, $0xb8;
	[tilespmem:$0x18100] =	vst v63  }
0xaa: {  	s24 =	simm.s32 $0x4100  }
0xab: {  	[tilespmem:s24], [sflag:$0x1] =	stream.indirect_vreg.gather [hbm4b:s13+s3], $0x80, v2, vm0, $0xb8;
	[tilespmem:$0x18100] =	vst v63  }
0xac: {  	s24 =	simm.s32 $0x4900  }
0xad: {  	[tilespmem:s24], [sflag:$0x1] =	stream.indirect_vreg.gather [hbm4b:s14+s3], $0x80, v2, vm0, $0xb8;
	[tilespmem:$0x18100] =	vst v63  }
0xae: {  	s24 =	simm.s32 $0x5100  }
0xaf: {  	[tilespmem:s24], [sflag:$0x1] =	stream.indirect_vreg.gather [hbm4b:s15+s3], $0x80, v2, vm0, $0xb8;
	[tilespmem:$0x18100] =	vst v63  }
0xb0: {  	s24 =	simm.s32 $0x5900  }
0xb1: {  	[tilespmem:s24], [sflag:$0x1] =	stream.indirect_vreg.gather [hbm4b:s16+s3], $0x80, v2, vm0, $0xb8;
	[tilespmem:$0x18100] =	vst v63  }
0xb2: {  	s24 =	simm.s32 $0x6100  }
0xb3: {  	[tilespmem:s24], [sflag:$0x1] =	stream.indirect_vreg.gather [hbm4b:s17+s3], $0x80, v2, vm0, $0xb8;
	[tilespmem:$0x18100] =	vst v63  }
0xb4: {  	s24 =	simm.s32 $0x6900  }
0xb5: {  	[tilespmem:s24], [sflag:$0x1] =	stream.indirect_vreg.gather [hbm4b:s18+s3], $0x80, v2, vm0, $0xb8;
	[tilespmem:$0x18100] =	vst v63  }
0xb6: {  	s24 =	simm.s32 $0x7100  }
0xb7: {  	[tilespmem:s24], [sflag:$0x1] =	stream.indirect_vreg.gather [hbm4b:s19+s3], $0x80, v2, vm0, $0xb8;
	[tilespmem:$0x18100] =	vst v63  }
0xb8: {  	s24 =	simm.s32 $0x7900  }
0xb9: {  	[tilespmem:s24], [sflag:$0x1] =	stream.indirect_vreg.gather [hbm4b:s22+s3], $0x80, v2, vm0, $0xb8;
	[tilespmem:$0x18100] =	vst v63  }
0xba: {  	s24 =	simm.s32 $0x8100  }
0xbb: {  	[tilespmem:s24], [sflag:$0x1] =	stream.indirect_vreg.gather [hbm4b:s21+s3], $0x80, v2, vm0, $0xb8;
	[tilespmem:$0x18100] =	vst v63  }
0xbc: {  	s24 =	simm.s32 $0x8900  }
0xbd: {  	[tilespmem:s24], [sflag:$0x1] =	stream.indirect_vreg.gather [hbm4b:s23+s3], $0x80, v2, vm0, $0xb8;
	[tilespmem:$0x18100] =	vst v63  }
0xbe: {  	s24 =	simm.s32 $0x9100  }
0xbf: {  	[tilespmem:s24], [sflag:$0x1] =	stream.indirect_vreg.gather [hbm4b:s26+s3], $0x80, v2, vm0, $0xb8;
	[tilespmem:$0x18100] =	vst v63  }
0xc0: {  	s2 =	smov.u32 s22;
	s22 =	smov.u32 s19;
	s24 =	simm.s32 $0x9900  }
0xc1: {  	[tilespmem:s24], [sflag:$0x1] =	stream.indirect_vreg.gather [hbm4b:s28+s3], $0x80, v2, vm0, $0xb8;
	[tilespmem:$0x18100] =	vst v63  }
0xc2: {  	s19 =	smov.u32 s18;
	s18 =	smov.u32 s17;
	s24 =	simm.s32 $0xA100  }
0xc3: {  	[tilespmem:s24], [sflag:$0x1] =	stream.indirect_vreg.gather [hbm4b:s29+s3], $0x80, v2, vm0, $0xb8;
	[tilespmem:$0x18100] =	vst v63  }
0xc4: {  	s17 =	smov.u32 s16;
	s16 =	smov.u32 s15;
	s24 =	simm.s32 $0xA900  }
0xc5: {  	[tilespmem:s24], [sflag:$0x1] =	stream.indirect_vreg.gather [hbm4b:s30+s3], $0x80, v2, vm0, $0xb8;
	[tilespmem:$0x18100] =	vst v63  }
0xc6: {  	s15 =	smov.u32 s14;
	s14 =	smov.u32 s13;
	s24 =	simm.s32 $0xB100  }
0xc7: {  	[tilespmem:s24], [sflag:$0x1] =	stream.indirect_vreg.gather [hbm4b:s31+s3], $0x80, v2, vm0, $0xb8;
	[tilespmem:$0x18100] =	vst v63  }
0xc8: {  	s13 =	smov.u32 s12;
	s12 =	smov.u32 s11;
	s24 =	simm.s32 $0xB900  }
0xc9: {  	[tilespmem:s24], [sflag:$0x1] =	stream.indirect_vreg.gather [hbm4b:s0+s3], $0x80, v2, vm0, $0xb8;
	[tilespmem:$0x18100] =	vst v63  }
0xca: {  	s11 =	smov.u32 s10;
	s10 =	smov.u32 s9;
	s24 =	simm.s32 $0x2  }
0xcb: {  	s9 =	smov.u32 s8;
	s8 =	smov.u32 s7;
	_ =	swait.ge [sflag:s24], $0xC000  }
0xcc: {  	s7 =	smov.u32 s6;
	s6 =	smov.u32 s5;
	[sflag:s24] =	ssyncset.done $0x0  }
0xcd: {  	s5 =	sadd.s32 $0x1800, s1;
	[sflag:s24] =	ssyncadd.s32 $0xFFFF4000;
	s24 =	simm.s32 $0xC100  }
0xce: {  	[hbm4b:s5+s3] =	stream.linear.scatter [tilespmem:s24], [sflag:$0x4], $0xC000, $0x38;
	[tilespmem:$0x18100] =	vst v63  }
0xcf: {  	s5 =	smov.u32 s6;
	s6 =	smov.u32 s7  }
0xd0: {  	s7 =	smov.u32 s8;
	s8 =	smov.u32 s9;
	s9 =	smov.u32 s10  }
0xd1: {  	s10 =	smov.u32 s11;
	s11 =	smov.u32 s12;
	s12 =	smov.u32 s13  }
0xd2: {  	s13 =	smov.u32 s14;
	s14 =	smov.u32 s15;
	s15 =	smov.u32 s16  }
0xd3: {  	s16 =	smov.u32 s17;
	s17 =	smov.u32 s18;
	s18 =	smov.u32 s19  }
0xd4: {  	s19 =	smov.u32 s22;
	s22 =	smov.u32 s2;
	s2 =	simm.s32 $0x4  }
0xd5: {  	_ =	swait.ge [sflag:s2], $0xC000  }
0xd6: {  	[sflag:s2] =	ssyncset.done $0x0  }
0xd7: {  	[sflag:s2] =	ssyncadd.s32 $0xFFFF4000  }
0xd8: {  	v2 =	vld.msk [tilespmem:s25+$0x18], $0xff;
	_ =	sdelay $0x4  }
0xd9: {  	v3 =	vshrl.u32 v2, $0x3  }
0xda: {  	v3 =	vmul.u32 $0x180, v3  }
0xdb: {  	v2 =	vand.u32 $0x7, v2  }
0xdc: {  	v2 =	vor.u32 v2, v3  }
0xdd: {  	v2 =	vperm.xlane v2, v0;
	_ =	sdelay $0x1  }
0xde: {  	v2 =	vadd.s32 v1, v2;
	_ =	sdelay $0x4  }
0xdf: {  	[tilespmem:s24], [sflag:$0x2] =	stream.indirect_vreg.gather [hbm4b:s5+s3], $0x80, v2, vm0, $0xb8;
	[tilespmem:$0x18100] =	vst v63  }
0xe0: {  	s24 =	simm.s32 $0xC900  }
0xe1: {  	[tilespmem:s24], [sflag:$0x2] =	stream.indirect_vreg.gather [hbm4b:s6+s3], $0x80, v2, vm0, $0xb8;
	[tilespmem:$0x18100] =	vst v63  }
0xe2: {  	s2 =	simm.s32 $0xD100  }
0xe3: {  	[tilespmem:s2], [sflag:$0x2] =	stream.indirect_vreg.gather [hbm4b:s7+s3], $0x80, v2, vm0, $0xb8;
	[tilespmem:$0x18100] =	vst v63  }
0xe4: {  	s2 =	simm.s32 $0xD900  }
0xe5: {  	[tilespmem:s2], [sflag:$0x2] =	stream.indirect_vreg.gather [hbm4b:s8+s3], $0x80, v2, vm0, $0xb8;
	[tilespmem:$0x18100] =	vst v63  }
0xe6: {  	s2 =	simm.s32 $0xE100  }
0xe7: {  	[tilespmem:s2], [sflag:$0x2] =	stream.indirect_vreg.gather [hbm4b:s9+s3], $0x80, v2, vm0, $0xb8;
	[tilespmem:$0x18100] =	vst v63  }
0xe8: {  	s2 =	simm.s32 $0xE900  }
0xe9: {  	[tilespmem:s2], [sflag:$0x2] =	stream.indirect_vreg.gather [hbm4b:s10+s3], $0x80, v2, vm0, $0xb8;
	[tilespmem:$0x18100] =	vst v63  }
0xea: {  	s2 =	simm.s32 $0xF100  }
0xeb: {  	[tilespmem:s2], [sflag:$0x2] =	stream.indirect_vreg.gather [hbm4b:s11+s3], $0x80, v2, vm0, $0xb8;
	[tilespmem:$0x18100] =	vst v63  }
0xec: {  	s2 =	simm.s32 $0xF900  }
0xed: {  	[tilespmem:s2], [sflag:$0x2] =	stream.indirect_vreg.gather [hbm4b:s12+s3], $0x80, v2, vm0, $0xb8;
	[tilespmem:$0x18100] =	vst v63  }
0xee: {  	s2 =	simm.s32 $0x10100  }
0xef: {  	[tilespmem:s2], [sflag:$0x2] =	stream.indirect_vreg.gather [hbm4b:s13+s3], $0x80, v2, vm0, $0xb8;
	[tilespmem:$0x18100] =	vst v63  }
0xf0: {  	s2 =	simm.s32 $0x10900  }
0xf1: {  	[tilespmem:s2], [sflag:$0x2] =	stream.indirect_vreg.gather [hbm4b:s14+s3], $0x80, v2, vm0, $0xb8;
	[tilespmem:$0x18100] =	vst v63  }
0xf2: {  	s2 =	simm.s32 $0x11100  }
0xf3: {  	[tilespmem:s2], [sflag:$0x2] =	stream.indirect_vreg.gather [hbm4b:s15+s3], $0x80, v2, vm0, $0xb8;
	[tilespmem:$0x18100] =	vst v63  }
0xf4: {  	s2 =	simm.s32 $0x11900  }
0xf5: {  	[tilespmem:s2], [sflag:$0x2] =	stream.indirect_vreg.gather [hbm4b:s16+s3], $0x80, v2, vm0, $0xb8;
	[tilespmem:$0x18100] =	vst v63  }
0xf6: {  	s2 =	simm.s32 $0x12100  }
0xf7: {  	[tilespmem:s2], [sflag:$0x2] =	stream.indirect_vreg.gather [hbm4b:s17+s3], $0x80, v2, vm0, $0xb8;
	[tilespmem:$0x18100] =	vst v63  }
0xf8: {  	s2 =	simm.s32 $0x12900  }
0xf9: {  	[tilespmem:s2], [sflag:$0x2] =	stream.indirect_vreg.gather [hbm4b:s18+s3], $0x80, v2, vm0, $0xb8;
	[tilespmem:$0x18100] =	vst v63  }
0xfa: {  	s2 =	simm.s32 $0x13100  }
0xfb: {  	[tilespmem:s2], [sflag:$0x2] =	stream.indirect_vreg.gather [hbm4b:s19+s3], $0x80, v2, vm0, $0xb8;
	[tilespmem:$0x18100] =	vst v63  }
0xfc: {  	s2 =	simm.s32 $0x13900  }
0xfd: {  	[tilespmem:s2], [sflag:$0x2] =	stream.indirect_vreg.gather [hbm4b:s22+s3], $0x80, v2, vm0, $0xb8;
	[tilespmem:$0x18100] =	vst v63  }
0xfe: {  	s25 =	smov.u32 s21;
	s2 =	simm.s32 $0x14100  }
0xff: {  	[tilespmem:s2], [sflag:$0x2] =	stream.indirect_vreg.gather [hbm4b:s25+s3], $0x80, v2, vm0, $0xb8;
	[tilespmem:$0x18100] =	vst v63  }
0x100: {  	s21 =	smov.u32 s23;
	s2 =	simm.s32 $0x14900  }
0x101: {  	[tilespmem:s2], [sflag:$0x2] =	stream.indirect_vreg.gather [hbm4b:s21+s3], $0x80, v2, vm0, $0xb8;
	[tilespmem:$0x18100] =	vst v63  }
0x102: {  	s2 =	simm.s32 $0x15100  }
0x103: {  	[tilespmem:s2], [sflag:$0x2] =	stream.indirect_vreg.gather [hbm4b:s26+s3], $0x80, v2, vm0, $0xb8;
	[tilespmem:$0x18100] =	vst v63  }
0x104: {  	s2 =	simm.s32 $0x15900  }
0x105: {  	[tilespmem:s2], [sflag:$0x2] =	stream.indirect_vreg.gather [hbm4b:s28+s3], $0x80, v2, vm0, $0xb8;
	[tilespmem:$0x18100] =	vst v63  }
0x106: {  	s2 =	simm.s32 $0x16100  }
0x107: {  	[tilespmem:s2], [sflag:$0x2] =	stream.indirect_vreg.gather [hbm4b:s29+s3], $0x80, v2, vm0, $0xb8;
	[tilespmem:$0x18100] =	vst v63  }
0x108: {  	p0 =	sne.s32 s4, $0x380;
	s2 =	simm.s32 $0x16900  }
0x109: {  	[tilespmem:s2], [sflag:$0x2] =	stream.indirect_vreg.gather [hbm4b:s30+s3], $0x80, v2, vm0, $0xb8;
	[tilespmem:$0x18100] =	vst v63  }
.Ltmp0:
0x10a: {  	_ = 	snop;
	(pc) =	sbr.rel @p0 .LBB2_2-.Ltmp0, $4  }
0x10b: {  	s4 =	sadd.s32 $0x40, s4;
	s20 =	simm.s32 $0x100;
	s2 =	simm.s32 $0x17100  }
0x10c: {  	[tilespmem:s2], [sflag:$0x2] =	stream.indirect_vreg.gather [hbm4b:s31+s3], $0x80, v2, vm0, $0xb8;
	[tilespmem:$0x18100] =	vst v63  }
0x10d: {  	s1 =	sadd.s32 $0x3000, s1;
	s23 =	simm.s32 $0xC100;
	s2 =	simm.s32 $0x17900  }
0x10e: {  	[tilespmem:s2], [sflag:$0x2] =	stream.indirect_vreg.gather [hbm4b:s0+s3], $0x80, v2, vm0, $0xb8;
	[tilespmem:$0x18100] =	vst v63  }
0x10f: {  	s1 =	simm.s32 $0x1  }
0x110: {  	_ =	swait.ge [sflag:s1], $0xC000  }
0x111: {  	[sflag:s1] =	ssyncset.done $0x0  }
0x112: {  	s4 =	simm.s32 $0x2;
	s2 =	rddreg [dreg:$0x6];
	[sflag:s1] =	ssyncadd.s32 $0xFFFF4000  }
0x113: {  	[hbm4b:s2+s3] =	stream.linear.scatter [tilespmem:s20], [sflag:$0x3], $0xC000, $0x38;
	[tilespmem:$0x18100] =	vst v63  }
0x114: {  	_ =	swait.ge [sflag:s4], $0xC000  }
0x115: {  	[sflag:s4] =	ssyncset.done $0x0  }
0x116: {  	s2 =	rddreg [dreg:$0x7];
	[sflag:s4] =	ssyncadd.s32 $0xFFFF4000;
	s4 =	simm.s32 $0x3  }
0x117: {  	[hbm4b:s2+s3] =	stream.linear.scatter [tilespmem:s23], [sflag:$0x4], $0xC000, $0x38;
	[tilespmem:$0x18100] =	vst v63  }
0x118: {  	_ =	swait.ge [sflag:s4], $0xC000  }
0x119: {  	[sflag:s4] =	ssyncset.done $0x0  }
0x11a: {  	s2 =	simm.s32 $0x4;
	[sflag:s4] =	ssyncadd.s32 $0xFFFF4000  }
0x11b: {  	_ =	swait.ge [sflag:s2], $0xC000  }
0x11c: {  	s4 =	rddreg [dreg:$0x9]  }
0x11d: {  	s1 =	rddreg [dreg:$0x8];
	s4 =	sadd.s32 $0x1, s4  }
0x11e: {  	p0 =	sne.s32 s4, s1  }
.Ltmp1:
0x11f: {  	_ = 	snop;
	(pc) =	sbr.rel @p0 .LBB2_1-.Ltmp1, $3  }
0x120: {  	_ =	sdelay $0x1  }
0x121: {  	[sflag:s2] =	ssyncset.done $0x0  }
0x122: {  	[sflag:s2] =	ssyncadd.s32 $0xFFFF4000  }
0x123: {  	_ =	sfence.sel $0x180000  }
0x124: {  	[bflag:$0x0] =	sbarrier.arrive $0xFFFF  }
0x125: {  	_ =	strace $0x90000047  }
0x126: {  	s0 =	stileid.u32;
	[bflag:$0x2] =	sbarrier.arrive $0xFFFF  }
0x127: {  	p0 =	sne.s32 s0, $0x0;
	s0 =	rddreg [dreg:$0x3]  }
0x128: {  	s0 =	sadd.s32 @!p0 $0x100000, s0  }
0x129: {  	[sflag:s0] =	ssyncadd.tile.s32 @!p0 $0x1;
	_ =	shalt  }
.Lfunc_end2:
_tile_overlayer_lowered:
.L_overlay_start_2:
0x12a: {  	(tag) =	ssettag $0x2  }
0x12b: {  	s0 =	rddreg [dreg:$0x0];
	s2 =	stileid.u32  }
0x12c: {  	s1 =	rddreg [dreg:$0x1];
	p0 =	sne.s32 s2, $0x0  }
0x12d: {  	s3 =	rddreg [dreg:$0x2];
	[bflag:$0x3] =	sbarrier.arrive $0xFFFF;
	s2 =	simm.s32 @!p0 $0x1C05  }
0x12e: {  	[timem:s3], [sflag:s2] =	dma.local @!p0 [hbm:s0], s1  }
0x12f: {  	s0 =	simm.s32 @!p0 $0x5  }
0x130: {  	_ =	swait.ge @!p0 [sflag:s0], s1  }
0x131: {  	s1 =	ssub.s32 @!p0 $0x0, s1;
	[sflag:s0] =	ssyncset.done @!p0 $0x0  }
0x132: {  	[sflag:s0] =	ssyncadd.s32 @!p0 s1  }
0x133: {  	[bflag:$0x3] =	sbarrier.arrive $0xFFFF  }
0x134: {  	_ =	shalt  }

</sc_bundles>
